<compile_context>
chip_gen: v7x
topology: tpu7x:2x2x1
jax: 0.10.2.dev20260603
libtpu: 0.0.44.dev20260713+nightly
codegen_flags: <defaults>
</compile_context>

<pallas_src>
import functools

import jax
import jax.numpy as jnp
from jax import lax
from jax.experimental import pallas as pl
from jax.experimental.pallas import tpu as pltpu
from jax.experimental.pallas import tpu_sc as plsc

NC = 2
NS = 16
CHUNK = 128
DEGW = 16


def _norm_body(p_ref, dp_ref, o_ref):
    p = p_ref[...].astype(jnp.float32)
    d2 = dp_ref[0] + dp_ref[1]
    deg = d2[:, 0:1]
    inv = 1.0 / (deg + 1e-10)
    inv = jnp.where(inv == 1e10, 0.0, inv)
    o_ref[...] = jnp.concatenate([p[0] * inv, p[1] * inv], axis=1)


def _run_sc(N, D, cpt, n_pad, row2d, col3d, feat2):
    rows_per_tile = n_pad // NS
    half = D // 2
    hc = cpt // 2
    mesh = plsc.VectorSubcoreMesh(core_axis_name="c", subcore_axis_name="s")

    @functools.partial(
        pl.kernel,
        mesh=mesh,
        out_type=(
            jax.ShapeDtypeStruct((NC, n_pad, half), jnp.bfloat16),
            jax.ShapeDtypeStruct((NC, n_pad, DEGW), jnp.float32),
        ),
        scratch_types=[
            pltpu.VMEM((cpt, CHUNK), jnp.int32),
            pltpu.VMEM((cpt, CHUNK), jnp.int32),
            [pltpu.VMEM((CHUNK, half), jnp.bfloat16) for _ in range(8)],
            pltpu.VMEM((CHUNK, DEGW), jnp.float32),
            pltpu.VMEM((CHUNK, DEGW), jnp.float32),
            pltpu.VMEM_SHARED((n_pad, half), jnp.bfloat16),
            pltpu.VMEM_SHARED((n_pad, DEGW), jnp.float32),
            [pltpu.SemaphoreType.DMA for _ in range(8)],
            [pltpu.SemaphoreType.DMA for _ in range(8)],
            pltpu.SemaphoreType.DMA,
        ],
        compiler_params=pltpu.CompilerParams(use_tc_tiling_on_sc=False),
    )
    def agg(row_hbm, col_hbm, feat_hbm, p_out, degp_out,
            row_v, col_v, bufs, zdeg, ones_v, acc, dacc,
            gsems, ssems, dsem):
        zbuf = bufs[0]
        c = lax.axis_index("c")
        s = lax.axis_index("s")
        base_row = s * rows_per_tile

        pltpu.sync_copy(row_hbm.at[pl.ds(s * cpt, cpt)], row_v)
        pltpu.sync_copy(col_hbm.at[c, pl.ds(s * cpt, cpt)], col_v)

        def fill_zbuf(i, _):
            for l in range(half // 32):
                zbuf[i, pl.ds(l * 32, 32)] = jnp.zeros((32,), jnp.bfloat16)
            return 0
        lax.fori_loop(0, CHUNK, fill_zbuf, 0)

        def fill_zdeg(i, _):
            zdeg[i, :] = jnp.zeros((16,), jnp.float32)
            return 0
        lax.fori_loop(0, CHUNK, fill_zdeg, 0)

        def fill_ones(i, _):
            ones_v[i, :] = jnp.full((16,), 1.0, jnp.float32)
            return 0
        lax.fori_loop(0, CHUNK, fill_ones, 0)

        full = rows_per_tile // CHUNK
        for t in range(full):
            pltpu.sync_copy(zbuf, acc.at[pl.ds(base_row + t * CHUNK, CHUNK)])
            pltpu.sync_copy(zdeg, dacc.at[pl.ds(base_row + t * CHUNK, CHUNK)])
        rem = rows_per_tile - full * CHUNK
        if rem:
            pltpu.sync_copy(zbuf.at[pl.ds(0, rem)],
                            acc.at[pl.ds(base_row + full * CHUNK, rem)])
            pltpu.sync_copy(zdeg.at[pl.ds(0, rem)],
                            dacc.at[pl.ds(base_row + full * CHUNK, rem)])

        nbuf = len(bufs)

        def g_start(j, b):
            pltpu.async_copy(feat_hbm.at[col_v.at[j]], bufs[b], gsems[b])

        def g_wait(j, b):
            pltpu.make_async_copy(feat_hbm.at[col_v.at[j]], bufs[b],
                                  gsems[b]).wait()

        def s_start(j, b):
            pltpu.async_copy(bufs[b], acc.at[row_v.at[j]], ssems[b], add=True)

        def s_wait(j, b):
            pltpu.make_async_copy(bufs[b], acc.at[row_v.at[j]],
                                  ssems[b]).wait()

        def deg_add(j):
            @pl.when(jnp.logical_xor(j < hc, c == 1))
            def _():
                pltpu.async_copy(ones_v, dacc.at[row_v.at[j]], dsem, add=True)

        for b in range(nbuf):
            g_start(b, b)

        plsc.subcore_barrier()

        ngroups = cpt // nbuf

        def group(k, _):
            j = nbuf * k
            for b in range(nbuf):
                g_wait(j + b, b)
                s_start(j + b, b)
                deg_add(j + b)
            for b in range(nbuf):
                s_wait(j + b, b)

                @pl.when(k < ngroups - 1)
                def _(b=b):
                    g_start(j + nbuf + b, b)
            return 0
        lax.fori_loop(0, ngroups, group, 0)

        def deg_drain(i, _):
            pltpu.make_async_copy(ones_v, dacc.at[row_v.at[0]], dsem).wait()
            return 0
        lax.fori_loop(0, hc, deg_drain, 0)

        plsc.subcore_barrier()

        pltpu.sync_copy(acc.at[pl.ds(base_row, rows_per_tile)],
                        p_out.at[c, pl.ds(base_row, rows_per_tile)])
        pltpu.sync_copy(dacc.at[pl.ds(base_row, rows_per_tile)],
                        degp_out.at[c, pl.ds(base_row, rows_per_tile)])

    return agg(row2d, col3d, feat2)


def kernel(edge_index, feature, adj_values):
    N, D = feature.shape
    E = edge_index.shape[1]
    half = D // 2

    cpt = -(-E // (NS * CHUNK))
    cpt = ((cpt + 31) // 32) * 32
    e_pad = NS * cpt * CHUNK
    pad = e_pad - E
    n_pad = (N // (NS * 8) + 1) * (NS * 8)

    row = edge_index[0]
    col = edge_index[1]
    if pad:
        ar = jnp.arange(pad, dtype=jnp.int32)
        row = jnp.concatenate([row, N + (ar % (n_pad - N))])
        col = jnp.concatenate([col, ar % N])
    row2d = row.reshape(NS * cpt, CHUNK)
    col2 = 2 * col
    col3d = jnp.stack([col2, col2 + 1]).reshape(NC, NS * cpt, CHUNK)
    feat2 = feature.astype(jnp.bfloat16).reshape(2 * N, half)

    p, degp = _run_sc(N, D, cpt, n_pad, row2d, col3d, feat2)

    bn = 400
    out = pl.pallas_call(
        _norm_body,
        grid=(N // bn,),
        in_specs=[
            pl.BlockSpec((NC, bn, half), lambda i: (0, i, 0)),
            pl.BlockSpec((NC, bn, DEGW), lambda i: (0, i, 0)),
        ],
        out_specs=pl.BlockSpec((bn, D), lambda i: (i, 0)),
        out_shape=jax.ShapeDtypeStruct((N, D), jnp.float32),
    )(p, degp)
    return out

# --- scband reference (transcript-rebuilt; emitter-appended) ---
"""Pipeline reference for scband-mean-aggregator-39797166964865 (READ-ONLY COPY).

The authoritative reference and input builder live on the scoring server;
editing this copy changes nothing except your own understanding.
"""

import jax, jax.numpy as jnp
import numpy as np

N = 10000
E = 320000
D = 128

def setup_inputs(seed: int = 0) -> dict:
    key = jax.random.key(seed)
    k1, k2 = jax.random.split(key, 2)
    edge_index = jax.random.randint(k1, (2, E), 0, N, dtype=jnp.int32)
    feature = jax.random.normal(k2, (N, D), dtype=jnp.float32)
    adj_values = jnp.ones((E,), dtype=jnp.float32)
    return {"edge_index": edge_index, "feature": feature, "adj_values": adj_values}

def reference(edge_index, feature, adj_values):
    # adj is a sparse COO matrix of shape (N, N) with indices=edge_index, values=adj_values.
    row = edge_index[0]
    col = edge_index[1]
    # row_sum = torch.sparse.sum(adj, dim=1)
    row_sum = jax.ops.segment_sum(adj_values, row, num_segments=N)
    # row_sum = 1.0 / (row_sum.to_dense() + 1e-10)
    inv = 1.0 / (row_sum + 1e-10)
    # masked_fill(inv == 1e10, 0.0)  (rows with zero degree)
    inv = jnp.where(inv == 1e10, 0.0, inv)
    # normalized_adj = D^{-1} @ adj : scale each nonzero by inv[row]
    norm_vals = inv[row] * adj_values
    # out = normalized_adj @ feature : gather cols, scale, scatter-add into rows
    out = jnp.zeros((N, D), dtype=feature.dtype).at[row].add(norm_vals[:, None] * feature[col])
    return out

if __name__ == "__main__":
    import jax
    _d = setup_inputs()
    print(jax.jit(kernel)(*tuple(_d.values())))

</pallas_src>

<mosaic_0001>
#map = affine_map<(d0, d1) -> (0, 0)>
#map1 = affine_map<(d0, d1) -> (0, 0, 0)>
module attributes {stable_mosaic.version = 14 : i64} {
  func.func @agg(%arg0: i32, %arg1: i32, %arg2: memref<2560x128xi32, #tpu.memory_space<hbm>>, %arg3: memref<2x2560x128xi32, #tpu.memory_space<hbm>>, %arg4: memref<20000x64xbf16, #tpu.memory_space<hbm>>, %arg5: memref<2x10112x64xbf16, #tpu.memory_space<hbm>>, %arg6: memref<2x10112x16xf32, #tpu.memory_space<hbm>>, %arg7: memref<160x128xi32, #tpu.memory_space<vmem>>, %arg8: memref<160x128xi32, #tpu.memory_space<vmem>>, %arg9: memref<128x64xbf16, #tpu.memory_space<vmem>>, %arg10: memref<128x64xbf16, #tpu.memory_space<vmem>>, %arg11: memref<128x64xbf16, #tpu.memory_space<vmem>>, %arg12: memref<128x64xbf16, #tpu.memory_space<vmem>>, %arg13: memref<128x64xbf16, #tpu.memory_space<vmem>>, %arg14: memref<128x64xbf16, #tpu.memory_space<vmem>>, %arg15: memref<128x64xbf16, #tpu.memory_space<vmem>>, %arg16: memref<128x64xbf16, #tpu.memory_space<vmem>>, %arg17: memref<128x16xf32, #tpu.memory_space<vmem>>, %arg18: memref<128x16xf32, #tpu.memory_space<vmem>>, %arg19: memref<10112x64xbf16, #tpu.memory_space<vmem_shared>>, %arg20: memref<10112x16xf32, #tpu.memory_space<vmem_shared>>, %arg21: memref<!tpu.dma_semaphore, #tpu.memory_space<semaphore_mem>>, %arg22: memref<!tpu.dma_semaphore, #tpu.memory_space<semaphore_mem>>, %arg23: memref<!tpu.dma_semaphore, #tpu.memory_space<semaphore_mem>>, %arg24: memref<!tpu.dma_semaphore, #tpu.memory_space<semaphore_mem>>, %arg25: memref<!tpu.dma_semaphore, #tpu.memory_space<semaphore_mem>>, %arg26: memref<!tpu.dma_semaphore, #tpu.memory_space<semaphore_mem>>, %arg27: memref<!tpu.dma_semaphore, #tpu.memory_space<semaphore_mem>>, %arg28: memref<!tpu.dma_semaphore, #tpu.memory_space<semaphore_mem>>, %arg29: memref<!tpu.dma_semaphore, #tpu.memory_space<semaphore_mem>>, %arg30: memref<!tpu.dma_semaphore, #tpu.memory_space<semaphore_mem>>, %arg31: memref<!tpu.dma_semaphore, #tpu.memory_space<semaphore_mem>>, %arg32: memref<!tpu.dma_semaphore, #tpu.memory_space<semaphore_mem>>, %arg33: memref<!tpu.dma_semaphore, #tpu.memory_space<semaphore_mem>>, %arg34: memref<!tpu.dma_semaphore, #tpu.memory_space<semaphore_mem>>, %arg35: memref<!tpu.dma_semaphore, #tpu.memory_space<semaphore_mem>>, %arg36: memref<!tpu.dma_semaphore, #tpu.memory_space<semaphore_mem>>, %arg37: memref<!tpu.dma_semaphore, #tpu.memory_space<semaphore_mem>>) attributes {dimension_semantics = [#tpu.dimension_semantics<core_parallel>, #tpu.dimension_semantics<subcore_parallel>], iteration_bounds = array<i64: 2, 16>, scalar_prefetch = 0 : i64, scratch_operands = 31 : i64, tpu.core_type = #tpu.core_type<sc_vector_subcore>, window_params = [{transform_indices = #map}, {transform_indices = #map1}, {transform_indices = #map}, {transform_indices = #map1}, {transform_indices = #map1}]} {
    %mul3A = arith.constant 632 : i32
    %mul3A_0 = arith.muli %arg1, %mul3A : i32
    %mul3A_1 = arith.constant 160 : i32
    %mul3A_2 = arith.muli %arg1, %mul3A_1 : i32
    "tpu.region"() ({
      %run_scoped3A = tpu.sem_alloc : memref<!tpu.dma_semaphore, #tpu.memory_space<semaphore_mem>>
      %dma_start3A_114 = arith.constant 0 : i32
      %dma_start3A_115 = tpu.memref_slice %arg2[%mul3A_2, %dma_start3A_114] : memref<2560x128xi32, #tpu.memory_space<hbm>> -> memref<160x128xi32, #tpu.memory_space<hbm>>
      %dma_start3A_116 = arith.constant 0 : i32
      %dma_start3A_117 = tpu.memref_slice %arg2[%mul3A_2, %dma_start3A_116] : memref<2560x128xi32, #tpu.memory_space<hbm>> -> memref<160x128xi32, #tpu.memory_space<hbm>>
      tpu.enqueue_dma source(%dma_start3A_117 : memref<160x128xi32, #tpu.memory_space<hbm>>) target(%arg7 : memref<160x128xi32, #tpu.memory_space<vmem>>) target_semaphore(%run_scoped3A : memref<!tpu.dma_semaphore, #tpu.memory_space<semaphore_mem>>)
      %dma_wait3A = arith.constant 0 : i32
      %dma_wait3A_118 = tpu.memref_slice %arg2[%mul3A_2, %dma_wait3A] : memref<2560x128xi32, #tpu.memory_space<hbm>> -> memref<160x128xi32, #tpu.memory_space<hbm>>
      %dma_wait3A_119 = arith.constant 0 : i32
      %dma_wait3A_120 = tpu.memref_slice %arg2[%mul3A_2, %dma_wait3A_119] : memref<2560x128xi32, #tpu.memory_space<hbm>> -> memref<160x128xi32, #tpu.memory_space<hbm>>
      tpu.wait_dma2 semaphore(%run_scoped3A : memref<!tpu.dma_semaphore, #tpu.memory_space<semaphore_mem>>) src(%dma_wait3A_120 : memref<160x128xi32, #tpu.memory_space<hbm>>) dst(%arg7 : memref<160x128xi32, #tpu.memory_space<vmem>>)
      tpu.yield
    }) : () -> ()
    %mul3A_3 = arith.constant 160 : i32
    %mul3A_4 = arith.muli %arg1, %mul3A_3 : i32
    "tpu.region"() ({
      %run_scoped3A = tpu.sem_alloc : memref<!tpu.dma_semaphore, #tpu.memory_space<semaphore_mem>>
      %dma_start3A_114 = arith.constant 0 : i32
      %dma_start3A_115 = tpu.memref_slice %arg3[%arg0, %mul3A_4, %dma_start3A_114] : memref<2x2560x128xi32, #tpu.memory_space<hbm>> -> memref<1x160x128xi32, #tpu.memory_space<hbm>>
      %dma_start3A_116 = tpu.memref_squeeze %dma_start3A_115 : memref<1x160x128xi32, #tpu.memory_space<hbm>> -> memref<160x128xi32, #tpu.memory_space<hbm>>
      %dma_start3A_117 = arith.constant 0 : i32
      %dma_start3A_118 = tpu.memref_slice %arg3[%arg0, %mul3A_4, %dma_start3A_117] : memref<2x2560x128xi32, #tpu.memory_space<hbm>> -> memref<1x160x128xi32, #tpu.memory_space<hbm>>
      %dma_start3A_119 = tpu.memref_squeeze %dma_start3A_118 : memref<1x160x128xi32, #tpu.memory_space<hbm>> -> memref<160x128xi32, #tpu.memory_space<hbm>>
      tpu.enqueue_dma source(%dma_start3A_119 : memref<160x128xi32, #tpu.memory_space<hbm>>) target(%arg8 : memref<160x128xi32, #tpu.memory_space<vmem>>) target_semaphore(%run_scoped3A : memref<!tpu.dma_semaphore, #tpu.memory_space<semaphore_mem>>)
      %dma_wait3A = arith.constant 0 : i32
      %dma_wait3A_120 = tpu.memref_slice %arg3[%arg0, %mul3A_4, %dma_wait3A] : memref<2x2560x128xi32, #tpu.memory_space<hbm>> -> memref<1x160x128xi32, #tpu.memory_space<hbm>>
      %dma_wait3A_121 = tpu.memref_squeeze %dma_wait3A_120 : memref<1x160x128xi32, #tpu.memory_space<hbm>> -> memref<160x128xi32, #tpu.memory_space<hbm>>
      %dma_wait3A_122 = arith.constant 0 : i32
      %dma_wait3A_123 = tpu.memref_slice %arg3[%arg0, %mul3A_4, %dma_wait3A_122] : memref<2x2560x128xi32, #tpu.memory_space<hbm>> -> memref<1x160x128xi32, #tpu.memory_space<hbm>>
      %dma_wait3A_124 = tpu.memref_squeeze %dma_wait3A_123 : memref<1x160x128xi32, #tpu.memory_space<hbm>> -> memref<160x128xi32, #tpu.memory_space<hbm>>
      tpu.wait_dma2 semaphore(%run_scoped3A : memref<!tpu.dma_semaphore, #tpu.memory_space<semaphore_mem>>) src(%dma_wait3A_124 : memref<160x128xi32, #tpu.memory_space<hbm>>) dst(%arg8 : memref<160x128xi32, #tpu.memory_space<vmem>>)
      tpu.yield
    }) : () -> ()
    %scan3A = arith.constant 0 : i32
    %scan3A_5 = arith.constant 0 : i32
    %scan3A_6 = arith.constant 128 : i32
    %scan3A_7 = arith.addi %scan3A_5, %scan3A_6 : i32
    %scan3A_8 = arith.constant 1 : i32
    %scan3A_9 = scf.for %scan3A_114 = %scan3A_5 to %scan3A_7 step %scan3A_8 iter_args(%scan3A_115 = %scan3A) -> (i32)  : i32 {
      %broadcast_in_dim3A = arith.constant 0.000000e+00 : bf16
      %broadcast_in_dim3A_116 = vector.broadcast %broadcast_in_dim3A : bf16 to vector<32xbf16>
      %swap3A = arith.index_cast %scan3A_114 : i32 to index
      %swap3A_117 = arith.constant 0 : index
      %swap3A_118 = tpu.vector_load %arg9[%swap3A, %swap3A_117] {strides = array<i32>} : memref<128x64xbf16, #tpu.memory_space<vmem>>, vector<1x32xbf16>,
      %swap3A_119 = vector.shape_cast %swap3A_118 : vector<1x32xbf16> to vector<32xbf16>
      %swap3A_120 = vector.shape_cast %broadcast_in_dim3A_116 : vector<32xbf16> to vector<1x32xbf16>
      tpu.vector_store %arg9[%swap3A, %swap3A_117], %swap3A_120 {strides = array<i32>} : memref<128x64xbf16, #tpu.memory_space<vmem>>, vector<1x32xbf16>,
      %broadcast_in_dim3A_121 = arith.constant 0.000000e+00 : bf16
      %broadcast_in_dim3A_122 = vector.broadcast %broadcast_in_dim3A_121 : bf16 to vector<32xbf16>
      %swap3A_123 = arith.index_cast %scan3A_114 : i32 to index
      %swap3A_124 = arith.constant 32 : index
      %swap3A_125 = tpu.vector_load %arg9[%swap3A_123, %swap3A_124] {strides = array<i32>} : memref<128x64xbf16, #tpu.memory_space<vmem>>, vector<1x32xbf16>,
      %swap3A_126 = vector.shape_cast %swap3A_125 : vector<1x32xbf16> to vector<32xbf16>
      %swap3A_127 = vector.shape_cast %broadcast_in_dim3A_122 : vector<32xbf16> to vector<1x32xbf16>
      tpu.vector_store %arg9[%swap3A_123, %swap3A_124], %swap3A_127 {strides = array<i32>} : memref<128x64xbf16, #tpu.memory_space<vmem>>, vector<1x32xbf16>,
      %scan3A_128 = arith.constant 0 : i32
      scf.yield %scan3A_128 : i32
    }
    %scan3A_10 = arith.constant 128 : i32
    %scan3A_11 = arith.constant 0 : i32
    %scan3A_12 = arith.constant 0 : i32
    %scan3A_13 = arith.constant 128 : i32
    %scan3A_14 = arith.addi %scan3A_12, %scan3A_13 : i32
    %scan3A_15 = arith.constant 1 : i32
    %scan3A_16 = scf.for %scan3A_114 = %scan3A_12 to %scan3A_14 step %scan3A_15 iter_args(%scan3A_115 = %scan3A_11) -> (i32)  : i32 {
      %broadcast_in_dim3A = arith.constant 0.000000e+00 : f32
      %broadcast_in_dim3A_116 = vector.broadcast %broadcast_in_dim3A : f32 to vector<16xf32>
      %swap3A = arith.index_cast %scan3A_114 : i32 to index
      %swap3A_117 = arith.constant 0 : index
      %swap3A_118 = tpu.vector_load %arg17[%swap3A, %swap3A_117] {strides = array<i32>} : memref<128x16xf32, #tpu.memory_space<vmem>>, vector<1x16xf32>,
      %swap3A_119 = vector.shape_cast %swap3A_118 : vector<1x16xf32> to vector<16xf32>
      %swap3A_120 = vector.shape_cast %broadcast_in_dim3A_116 : vector<16xf32> to vector<1x16xf32>
      tpu.vector_store %arg17[%swap3A, %swap3A_117], %swap3A_120 {strides = array<i32>} : memref<128x16xf32, #tpu.memory_space<vmem>>, vector<1x16xf32>,
      %scan3A_121 = arith.constant 0 : i32
      scf.yield %scan3A_121 : i32
    }
    %scan3A_17 = arith.constant 128 : i32
    %scan3A_18 = arith.constant 0 : i32
    %scan3A_19 = arith.constant 0 : i32
    %scan3A_20 = arith.constant 128 : i32
    %scan3A_21 = arith.addi %scan3A_19, %scan3A_20 : i32
    %scan3A_22 = arith.constant 1 : i32
    %scan3A_23 = scf.for %scan3A_114 = %scan3A_19 to %scan3A_21 step %scan3A_22 iter_args(%scan3A_115 = %scan3A_18) -> (i32)  : i32 {
      %broadcast_in_dim3A = arith.constant 1.000000e+00 : f32
      %broadcast_in_dim3A_116 = vector.broadcast %broadcast_in_dim3A : f32 to vector<16xf32>
      %swap3A = arith.index_cast %scan3A_114 : i32 to index
      %swap3A_117 = arith.constant 0 : index
      %swap3A_118 = tpu.vector_load %arg18[%swap3A, %swap3A_117] {strides = array<i32>} : memref<128x16xf32, #tpu.memory_space<vmem>>, vector<1x16xf32>,
      %swap3A_119 = vector.shape_cast %swap3A_118 : vector<1x16xf32> to vector<16xf32>
      %swap3A_120 = vector.shape_cast %broadcast_in_dim3A_116 : vector<16xf32> to vector<1x16xf32>
      tpu.vector_store %arg18[%swap3A, %swap3A_117], %swap3A_120 {strides = array<i32>} : memref<128x16xf32, #tpu.memory_space<vmem>>, vector<1x16xf32>,
      %scan3A_121 = arith.constant 0 : i32
      scf.yield %scan3A_121 : i32
    }
    %scan3A_24 = arith.constant 128 : i32
    %add3A = arith.constant 0 : i32
    %add3A_25 = arith.addi %mul3A_0, %add3A : i32
    "tpu.region"() ({
      %run_scoped3A = tpu.sem_alloc : memref<!tpu.dma_semaphore, #tpu.memory_space<semaphore_mem>>
      %dma_start3A_114 = arith.constant 0 : i32
      %dma_start3A_115 = tpu.memref_slice %arg19[%add3A_25, %dma_start3A_114] : memref<10112x64xbf16, #tpu.memory_space<vmem_shared>> -> memref<128x64xbf16, #tpu.memory_space<vmem_shared>>
      %dma_start3A_116 = arith.constant 0 : i32
      %dma_start3A_117 = tpu.memref_slice %arg19[%add3A_25, %dma_start3A_116] : memref<10112x64xbf16, #tpu.memory_space<vmem_shared>> -> memref<128x64xbf16, #tpu.memory_space<vmem_shared>>
      tpu.enqueue_dma source(%arg9 : memref<128x64xbf16, #tpu.memory_space<vmem>>) target(%dma_start3A_117 : memref<128x64xbf16, #tpu.memory_space<vmem_shared>>) target_semaphore(%run_scoped3A : memref<!tpu.dma_semaphore, #tpu.memory_space<semaphore_mem>>)
      %dma_wait3A = arith.constant 0 : i32
      %dma_wait3A_118 = tpu.memref_slice %arg19[%add3A_25, %dma_wait3A] : memref<10112x64xbf16, #tpu.memory_space<vmem_shared>> -> memref<128x64xbf16, #tpu.memory_space<vmem_shared>>
      %dma_wait3A_119 = arith.constant 0 : i32
      %dma_wait3A_120 = tpu.memref_slice %arg19[%add3A_25, %dma_wait3A_119] : memref<10112x64xbf16, #tpu.memory_space<vmem_shared>> -> memref<128x64xbf16, #tpu.memory_space<vmem_shared>>
      tpu.wait_dma2 semaphore(%run_scoped3A : memref<!tpu.dma_semaphore, #tpu.memory_space<semaphore_mem>>) src(%arg9 : memref<128x64xbf16, #tpu.memory_space<vmem>>) dst(%dma_wait3A_120 : memref<128x64xbf16, #tpu.memory_space<vmem_shared>>)
      tpu.yield
    }) : () -> ()
    %add3A_26 = arith.constant 0 : i32
    %add3A_27 = arith.addi %mul3A_0, %add3A_26 : i32
    "tpu.region"() ({
      %run_scoped3A = tpu.sem_alloc : memref<!tpu.dma_semaphore, #tpu.memory_space<semaphore_mem>>
      %dma_start3A_114 = arith.constant 0 : i32
      %dma_start3A_115 = tpu.memref_slice %arg20[%add3A_27, %dma_start3A_114] : memref<10112x16xf32, #tpu.memory_space<vmem_shared>> -> memref<128x16xf32, #tpu.memory_space<vmem_shared>>
      %dma_start3A_116 = arith.constant 0 : i32
      %dma_start3A_117 = tpu.memref_slice %arg20[%add3A_27, %dma_start3A_116] : memref<10112x16xf32, #tpu.memory_space<vmem_shared>> -> memref<128x16xf32, #tpu.memory_space<vmem_shared>>
      tpu.enqueue_dma source(%arg17 : memref<128x16xf32, #tpu.memory_space<vmem>>) target(%dma_start3A_117 : memref<128x16xf32, #tpu.memory_space<vmem_shared>>) target_semaphore(%run_scoped3A : memref<!tpu.dma_semaphore, #tpu.memory_space<semaphore_mem>>)
      %dma_wait3A = arith.constant 0 : i32
      %dma_wait3A_118 = tpu.memref_slice %arg20[%add3A_27, %dma_wait3A] : memref<10112x16xf32, #tpu.memory_space<vmem_shared>> -> memref<128x16xf32, #tpu.memory_space<vmem_shared>>
      %dma_wait3A_119 = arith.constant 0 : i32
      %dma_wait3A_120 = tpu.memref_slice %arg20[%add3A_27, %dma_wait3A_119] : memref<10112x16xf32, #tpu.memory_space<vmem_shared>> -> memref<128x16xf32, #tpu.memory_space<vmem_shared>>
      tpu.wait_dma2 semaphore(%run_scoped3A : memref<!tpu.dma_semaphore, #tpu.memory_space<semaphore_mem>>) src(%arg17 : memref<128x16xf32, #tpu.memory_space<vmem>>) dst(%dma_wait3A_120 : memref<128x16xf32, #tpu.memory_space<vmem_shared>>)
      tpu.yield
    }) : () -> ()
    %add3A_28 = arith.constant 128 : i32
    %add3A_29 = arith.addi %mul3A_0, %add3A_28 : i32
    "tpu.region"() ({
      %run_scoped3A = tpu.sem_alloc : memref<!tpu.dma_semaphore, #tpu.memory_space<semaphore_mem>>
      %dma_start3A_114 = arith.constant 0 : i32
      %dma_start3A_115 = tpu.memref_slice %arg19[%add3A_29, %dma_start3A_114] : memref<10112x64xbf16, #tpu.memory_space<vmem_shared>> -> memref<128x64xbf16, #tpu.memory_space<vmem_shared>>
      %dma_start3A_116 = arith.constant 0 : i32
      %dma_start3A_117 = tpu.memref_slice %arg19[%add3A_29, %dma_start3A_116] : memref<10112x64xbf16, #tpu.memory_space<vmem_shared>> -> memref<128x64xbf16, #tpu.memory_space<vmem_shared>>
      tpu.enqueue_dma source(%arg9 : memref<128x64xbf16, #tpu.memory_space<vmem>>) target(%dma_start3A_117 : memref<128x64xbf16, #tpu.memory_space<vmem_shared>>) target_semaphore(%run_scoped3A : memref<!tpu.dma_semaphore, #tpu.memory_space<semaphore_mem>>)
      %dma_wait3A = arith.constant 0 : i32
      %dma_wait3A_118 = tpu.memref_slice %arg19[%add3A_29, %dma_wait3A] : memref<10112x64xbf16, #tpu.memory_space<vmem_shared>> -> memref<128x64xbf16, #tpu.memory_space<vmem_shared>>
      %dma_wait3A_119 = arith.constant 0 : i32
      %dma_wait3A_120 = tpu.memref_slice %arg19[%add3A_29, %dma_wait3A_119] : memref<10112x64xbf16, #tpu.memory_space<vmem_shared>> -> memref<128x64xbf16, #tpu.memory_space<vmem_shared>>
      tpu.wait_dma2 semaphore(%run_scoped3A : memref<!tpu.dma_semaphore, #tpu.memory_space<semaphore_mem>>) src(%arg9 : memref<128x64xbf16, #tpu.memory_space<vmem>>) dst(%dma_wait3A_120 : memref<128x64xbf16, #tpu.memory_space<vmem_shared>>)
      tpu.yield
    }) : () -> ()
    %add3A_30 = arith.constant 128 : i32
    %add3A_31 = arith.addi %mul3A_0, %add3A_30 : i32
    "tpu.region"() ({
      %run_scoped3A = tpu.sem_alloc : memref<!tpu.dma_semaphore, #tpu.memory_space<semaphore_mem>>
      %dma_start3A_114 = arith.constant 0 : i32
      %dma_start3A_115 = tpu.memref_slice %arg20[%add3A_31, %dma_start3A_114] : memref<10112x16xf32, #tpu.memory_space<vmem_shared>> -> memref<128x16xf32, #tpu.memory_space<vmem_shared>>
      %dma_start3A_116 = arith.constant 0 : i32
      %dma_start3A_117 = tpu.memref_slice %arg20[%add3A_31, %dma_start3A_116] : memref<10112x16xf32, #tpu.memory_space<vmem_shared>> -> memref<128x16xf32, #tpu.memory_space<vmem_shared>>
      tpu.enqueue_dma source(%arg17 : memref<128x16xf32, #tpu.memory_space<vmem>>) target(%dma_start3A_117 : memref<128x16xf32, #tpu.memory_space<vmem_shared>>) target_semaphore(%run_scoped3A : memref<!tpu.dma_semaphore, #tpu.memory_space<semaphore_mem>>)
      %dma_wait3A = arith.constant 0 : i32
      %dma_wait3A_118 = tpu.memref_slice %arg20[%add3A_31, %dma_wait3A] : memref<10112x16xf32, #tpu.memory_space<vmem_shared>> -> memref<128x16xf32, #tpu.memory_space<vmem_shared>>
      %dma_wait3A_119 = arith.constant 0 : i32
      %dma_wait3A_120 = tpu.memref_slice %arg20[%add3A_31, %dma_wait3A_119] : memref<10112x16xf32, #tpu.memory_space<vmem_shared>> -> memref<128x16xf32, #tpu.memory_space<vmem_shared>>
      tpu.wait_dma2 semaphore(%run_scoped3A : memref<!tpu.dma_semaphore, #tpu.memory_space<semaphore_mem>>) src(%arg17 : memref<128x16xf32, #tpu.memory_space<vmem>>) dst(%dma_wait3A_120 : memref<128x16xf32, #tpu.memory_space<vmem_shared>>)
      tpu.yield
    }) : () -> ()
    %add3A_32 = arith.constant 256 : i32
    %add3A_33 = arith.addi %mul3A_0, %add3A_32 : i32
    "tpu.region"() ({
      %run_scoped3A = tpu.sem_alloc : memref<!tpu.dma_semaphore, #tpu.memory_space<semaphore_mem>>
      %dma_start3A_114 = arith.constant 0 : i32
      %dma_start3A_115 = tpu.memref_slice %arg19[%add3A_33, %dma_start3A_114] : memref<10112x64xbf16, #tpu.memory_space<vmem_shared>> -> memref<128x64xbf16, #tpu.memory_space<vmem_shared>>
      %dma_start3A_116 = arith.constant 0 : i32
      %dma_start3A_117 = tpu.memref_slice %arg19[%add3A_33, %dma_start3A_116] : memref<10112x64xbf16, #tpu.memory_space<vmem_shared>> -> memref<128x64xbf16, #tpu.memory_space<vmem_shared>>
      tpu.enqueue_dma source(%arg9 : memref<128x64xbf16, #tpu.memory_space<vmem>>) target(%dma_start3A_117 : memref<128x64xbf16, #tpu.memory_space<vmem_shared>>) target_semaphore(%run_scoped3A : memref<!tpu.dma_semaphore, #tpu.memory_space<semaphore_mem>>)
      %dma_wait3A = arith.constant 0 : i32
      %dma_wait3A_118 = tpu.memref_slice %arg19[%add3A_33, %dma_wait3A] : memref<10112x64xbf16, #tpu.memory_space<vmem_shared>> -> memref<128x64xbf16, #tpu.memory_space<vmem_shared>>
      %dma_wait3A_119 = arith.constant 0 : i32
      %dma_wait3A_120 = tpu.memref_slice %arg19[%add3A_33, %dma_wait3A_119] : memref<10112x64xbf16, #tpu.memory_space<vmem_shared>> -> memref<128x64xbf16, #tpu.memory_space<vmem_shared>>
      tpu.wait_dma2 semaphore(%run_scoped3A : memref<!tpu.dma_semaphore, #tpu.memory_space<semaphore_mem>>) src(%arg9 : memref<128x64xbf16, #tpu.memory_space<vmem>>) dst(%dma_wait3A_120 : memref<128x64xbf16, #tpu.memory_space<vmem_shared>>)
      tpu.yield
    }) : () -> ()
    %add3A_34 = arith.constant 256 : i32
    %add3A_35 = arith.addi %mul3A_0, %add3A_34 : i32
    "tpu.region"() ({
      %run_scoped3A = tpu.sem_alloc : memref<!tpu.dma_semaphore, #tpu.memory_space<semaphore_mem>>
      %dma_start3A_114 = arith.constant 0 : i32
      %dma_start3A_115 = tpu.memref_slice %arg20[%add3A_35, %dma_start3A_114] : memref<10112x16xf32, #tpu.memory_space<vmem_shared>> -> memref<128x16xf32, #tpu.memory_space<vmem_shared>>
      %dma_start3A_116 = arith.constant 0 : i32
      %dma_start3A_117 = tpu.memref_slice %arg20[%add3A_35, %dma_start3A_116] : memref<10112x16xf32, #tpu.memory_space<vmem_shared>> -> memref<128x16xf32, #tpu.memory_space<vmem_shared>>
      tpu.enqueue_dma source(%arg17 : memref<128x16xf32, #tpu.memory_space<vmem>>) target(%dma_start3A_117 : memref<128x16xf32, #tpu.memory_space<vmem_shared>>) target_semaphore(%run_scoped3A : memref<!tpu.dma_semaphore, #tpu.memory_space<semaphore_mem>>)
      %dma_wait3A = arith.constant 0 : i32
      %dma_wait3A_118 = tpu.memref_slice %arg20[%add3A_35, %dma_wait3A] : memref<10112x16xf32, #tpu.memory_space<vmem_shared>> -> memref<128x16xf32, #tpu.memory_space<vmem_shared>>
      %dma_wait3A_119 = arith.constant 0 : i32
      %dma_wait3A_120 = tpu.memref_slice %arg20[%add3A_35, %dma_wait3A_119] : memref<10112x16xf32, #tpu.memory_space<vmem_shared>> -> memref<128x16xf32, #tpu.memory_space<vmem_shared>>
      tpu.wait_dma2 semaphore(%run_scoped3A : memref<!tpu.dma_semaphore, #tpu.memory_space<semaphore_mem>>) src(%arg17 : memref<128x16xf32, #tpu.memory_space<vmem>>) dst(%dma_wait3A_120 : memref<128x16xf32, #tpu.memory_space<vmem_shared>>)
      tpu.yield
    }) : () -> ()
    %add3A_36 = arith.constant 384 : i32
    %add3A_37 = arith.addi %mul3A_0, %add3A_36 : i32
    "tpu.region"() ({
      %run_scoped3A = tpu.sem_alloc : memref<!tpu.dma_semaphore, #tpu.memory_space<semaphore_mem>>
      %dma_start3A_114 = arith.constant 0 : i32
      %dma_start3A_115 = tpu.memref_slice %arg19[%add3A_37, %dma_start3A_114] : memref<10112x64xbf16, #tpu.memory_space<vmem_shared>> -> memref<128x64xbf16, #tpu.memory_space<vmem_shared>>
      %dma_start3A_116 = arith.constant 0 : i32
      %dma_start3A_117 = tpu.memref_slice %arg19[%add3A_37, %dma_start3A_116] : memref<10112x64xbf16, #tpu.memory_space<vmem_shared>> -> memref<128x64xbf16, #tpu.memory_space<vmem_shared>>
      tpu.enqueue_dma source(%arg9 : memref<128x64xbf16, #tpu.memory_space<vmem>>) target(%dma_start3A_117 : memref<128x64xbf16, #tpu.memory_space<vmem_shared>>) target_semaphore(%run_scoped3A : memref<!tpu.dma_semaphore, #tpu.memory_space<semaphore_mem>>)
      %dma_wait3A = arith.constant 0 : i32
      %dma_wait3A_118 = tpu.memref_slice %arg19[%add3A_37, %dma_wait3A] : memref<10112x64xbf16, #tpu.memory_space<vmem_shared>> -> memref<128x64xbf16, #tpu.memory_space<vmem_shared>>
      %dma_wait3A_119 = arith.constant 0 : i32
      %dma_wait3A_120 = tpu.memref_slice %arg19[%add3A_37, %dma_wait3A_119] : memref<10112x64xbf16, #tpu.memory_space<vmem_shared>> -> memref<128x64xbf16, #tpu.memory_space<vmem_shared>>
      tpu.wait_dma2 semaphore(%run_scoped3A : memref<!tpu.dma_semaphore, #tpu.memory_space<semaphore_mem>>) src(%arg9 : memref<128x64xbf16, #tpu.memory_space<vmem>>) dst(%dma_wait3A_120 : memref<128x64xbf16, #tpu.memory_space<vmem_shared>>)
      tpu.yield
    }) : () -> ()
    %add3A_38 = arith.constant 384 : i32
    %add3A_39 = arith.addi %mul3A_0, %add3A_38 : i32
    "tpu.region"() ({
      %run_scoped3A = tpu.sem_alloc : memref<!tpu.dma_semaphore, #tpu.memory_space<semaphore_mem>>
      %dma_start3A_114 = arith.constant 0 : i32
      %dma_start3A_115 = tpu.memref_slice %arg20[%add3A_39, %dma_start3A_114] : memref<10112x16xf32, #tpu.memory_space<vmem_shared>> -> memref<128x16xf32, #tpu.memory_space<vmem_shared>>
      %dma_start3A_116 = arith.constant 0 : i32
      %dma_start3A_117 = tpu.memref_slice %arg20[%add3A_39, %dma_start3A_116] : memref<10112x16xf32, #tpu.memory_space<vmem_shared>> -> memref<128x16xf32, #tpu.memory_space<vmem_shared>>
      tpu.enqueue_dma source(%arg17 : memref<128x16xf32, #tpu.memory_space<vmem>>) target(%dma_start3A_117 : memref<128x16xf32, #tpu.memory_space<vmem_shared>>) target_semaphore(%run_scoped3A : memref<!tpu.dma_semaphore, #tpu.memory_space<semaphore_mem>>)
      %dma_wait3A = arith.constant 0 : i32
      %dma_wait3A_118 = tpu.memref_slice %arg20[%add3A_39, %dma_wait3A] : memref<10112x16xf32, #tpu.memory_space<vmem_shared>> -> memref<128x16xf32, #tpu.memory_space<vmem_shared>>
      %dma_wait3A_119 = arith.constant 0 : i32
      %dma_wait3A_120 = tpu.memref_slice %arg20[%add3A_39, %dma_wait3A_119] : memref<10112x16xf32, #tpu.memory_space<vmem_shared>> -> memref<128x16xf32, #tpu.memory_space<vmem_shared>>
      tpu.wait_dma2 semaphore(%run_scoped3A : memref<!tpu.dma_semaphore, #tpu.memory_space<semaphore_mem>>) src(%arg17 : memref<128x16xf32, #tpu.memory_space<vmem>>) dst(%dma_wait3A_120 : memref<128x16xf32, #tpu.memory_space<vmem_shared>>)
      tpu.yield
    }) : () -> ()
    %add3A_40 = arith.constant 512 : i32
    %add3A_41 = arith.addi %mul3A_0, %add3A_40 : i32
    "tpu.region"() ({
      %run_scoped3A = tpu.sem_alloc : memref<!tpu.dma_semaphore, #tpu.memory_space<semaphore_mem>>
      %dma_start3A_114 = arith.constant 0 : i32
      %dma_start3A_115 = arith.constant 0 : i32
      %dma_start3A_116 = tpu.memref_slice %arg9[%dma_start3A_114, %dma_start3A_115] : memref<128x64xbf16, #tpu.memory_space<vmem>> -> memref<120x64xbf16, #tpu.memory_space<vmem>>
      %dma_start3A_117 = arith.constant 0 : i32
      %dma_start3A_118 = tpu.memref_slice %arg19[%add3A_41, %dma_start3A_117] : memref<10112x64xbf16, #tpu.memory_space<vmem_shared>> -> memref<120x64xbf16, #tpu.memory_space<vmem_shared>>
      %dma_start3A_119 = arith.constant 0 : i32
      %dma_start3A_120 = tpu.memref_slice %arg19[%add3A_41, %dma_start3A_119] : memref<10112x64xbf16, #tpu.memory_space<vmem_shared>> -> memref<120x64xbf16, #tpu.memory_space<vmem_shared>>
      %dma_start3A_121 = arith.constant 0 : i32
      %dma_start3A_122 = arith.constant 0 : i32
      %dma_start3A_123 = tpu.memref_slice %arg9[%dma_start3A_121, %dma_start3A_122] : memref<128x64xbf16, #tpu.memory_space<vmem>> -> memref<120x64xbf16, #tpu.memory_space<vmem>>
      tpu.enqueue_dma source(%dma_start3A_123 : memref<120x64xbf16, #tpu.memory_space<vmem>>) target(%dma_start3A_120 : memref<120x64xbf16, #tpu.memory_space<vmem_shared>>) target_semaphore(%run_scoped3A : memref<!tpu.dma_semaphore, #tpu.memory_space<semaphore_mem>>)
      %dma_wait3A = arith.constant 0 : i32
      %dma_wait3A_124 = arith.constant 0 : i32
      %dma_wait3A_125 = tpu.memref_slice %arg9[%dma_wait3A, %dma_wait3A_124] : memref<128x64xbf16, #tpu.memory_space<vmem>> -> memref<120x64xbf16, #tpu.memory_space<vmem>>
      %dma_wait3A_126 = arith.constant 0 : i32
      %dma_wait3A_127 = tpu.memref_slice %arg19[%add3A_41, %dma_wait3A_126] : memref<10112x64xbf16, #tpu.memory_space<vmem_shared>> -> memref<120x64xbf16, #tpu.memory_space<vmem_shared>>
      %dma_wait3A_128 = arith.constant 0 : i32
      %dma_wait3A_129 = tpu.memref_slice %arg19[%add3A_41, %dma_wait3A_128] : memref<10112x64xbf16, #tpu.memory_space<vmem_shared>> -> memref<120x64xbf16, #tpu.memory_space<vmem_shared>>
      %dma_wait3A_130 = arith.constant 0 : i32
      %dma_wait3A_131 = arith.constant 0 : i32
      %dma_wait3A_132 = tpu.memref_slice %arg9[%dma_wait3A_130, %dma_wait3A_131] : memref<128x64xbf16, #tpu.memory_space<vmem>> -> memref<120x64xbf16, #tpu.memory_space<vmem>>
      tpu.wait_dma2 semaphore(%run_scoped3A : memref<!tpu.dma_semaphore, #tpu.memory_space<semaphore_mem>>) src(%dma_wait3A_132 : memref<120x64xbf16, #tpu.memory_space<vmem>>) dst(%dma_wait3A_129 : memref<120x64xbf16, #tpu.memory_space<vmem_shared>>)
      tpu.yield
    }) : () -> ()
    %add3A_42 = arith.constant 512 : i32
    %add3A_43 = arith.addi %mul3A_0, %add3A_42 : i32
    "tpu.region"() ({
      %run_scoped3A = tpu.sem_alloc : memref<!tpu.dma_semaphore, #tpu.memory_space<semaphore_mem>>
      %dma_start3A_114 = arith.constant 0 : i32
      %dma_start3A_115 = arith.constant 0 : i32
      %dma_start3A_116 = tpu.memref_slice %arg17[%dma_start3A_114, %dma_start3A_115] : memref<128x16xf32, #tpu.memory_space<vmem>> -> memref<120x16xf32, #tpu.memory_space<vmem>>
      %dma_start3A_117 = arith.constant 0 : i32
      %dma_start3A_118 = tpu.memref_slice %arg20[%add3A_43, %dma_start3A_117] : memref<10112x16xf32, #tpu.memory_space<vmem_shared>> -> memref<120x16xf32, #tpu.memory_space<vmem_shared>>
      %dma_start3A_119 = arith.constant 0 : i32
      %dma_start3A_120 = tpu.memref_slice %arg20[%add3A_43, %dma_start3A_119] : memref<10112x16xf32, #tpu.memory_space<vmem_shared>> -> memref<120x16xf32, #tpu.memory_space<vmem_shared>>
      %dma_start3A_121 = arith.constant 0 : i32
      %dma_start3A_122 = arith.constant 0 : i32
      %dma_start3A_123 = tpu.memref_slice %arg17[%dma_start3A_121, %dma_start3A_122] : memref<128x16xf32, #tpu.memory_space<vmem>> -> memref<120x16xf32, #tpu.memory_space<vmem>>
      tpu.enqueue_dma source(%dma_start3A_123 : memref<120x16xf32, #tpu.memory_space<vmem>>) target(%dma_start3A_120 : memref<120x16xf32, #tpu.memory_space<vmem_shared>>) target_semaphore(%run_scoped3A : memref<!tpu.dma_semaphore, #tpu.memory_space<semaphore_mem>>)
      %dma_wait3A = arith.constant 0 : i32
      %dma_wait3A_124 = arith.constant 0 : i32
      %dma_wait3A_125 = tpu.memref_slice %arg17[%dma_wait3A, %dma_wait3A_124] : memref<128x16xf32, #tpu.memory_space<vmem>> -> memref<120x16xf32, #tpu.memory_space<vmem>>
      %dma_wait3A_126 = arith.constant 0 : i32
      %dma_wait3A_127 = tpu.memref_slice %arg20[%add3A_43, %dma_wait3A_126] : memref<10112x16xf32, #tpu.memory_space<vmem_shared>> -> memref<120x16xf32, #tpu.memory_space<vmem_shared>>
      %dma_wait3A_128 = arith.constant 0 : i32
      %dma_wait3A_129 = tpu.memref_slice %arg20[%add3A_43, %dma_wait3A_128] : memref<10112x16xf32, #tpu.memory_space<vmem_shared>> -> memref<120x16xf32, #tpu.memory_space<vmem_shared>>
      %dma_wait3A_130 = arith.constant 0 : i32
      %dma_wait3A_131 = arith.constant 0 : i32
      %dma_wait3A_132 = tpu.memref_slice %arg17[%dma_wait3A_130, %dma_wait3A_131] : memref<128x16xf32, #tpu.memory_space<vmem>> -> memref<120x16xf32, #tpu.memory_space<vmem>>
      tpu.wait_dma2 semaphore(%run_scoped3A : memref<!tpu.dma_semaphore, #tpu.memory_space<semaphore_mem>>) src(%dma_wait3A_132 : memref<120x16xf32, #tpu.memory_space<vmem>>) dst(%dma_wait3A_129 : memref<120x16xf32, #tpu.memory_space<vmem_shared>>)
      tpu.yield
    }) : () -> ()
    %dma_start3A = arith.constant 0 : i32
    %dma_start3A_44 = arith.constant 0 : i32
    %dma_start3A_45 = tpu.memref_slice %arg8[%dma_start3A, %dma_start3A_44] : memref<160x128xi32, #tpu.memory_space<vmem>> -> memref<1x128xi32, #tpu.memory_space<vmem>>
    %dma_start3A_46 = tpu.memref_squeeze %dma_start3A_45 : memref<1x128xi32, #tpu.memory_space<vmem>> -> memref<128xi32, #tpu.memory_space<vmem>>
    %dma_start3A_47 = arith.constant 0 : i32
    %dma_start3A_48 = arith.constant 0 : i32
    %dma_start3A_49 = tpu.memref_slice %arg4[%dma_start3A_47, %dma_start3A_48] : memref<20000x64xbf16, #tpu.memory_space<hbm>> -> memref<20000x64xbf16, #tpu.memory_space<hbm>>
    tpu.enqueue_indirect_dma source(%dma_start3A_49 : memref<20000x64xbf16, #tpu.memory_space<hbm>>) target(%arg9 : memref<128x64xbf16, #tpu.memory_space<vmem>>) offsets(%dma_start3A_46 : memref<128xi32, #tpu.memory_space<vmem>>) semaphore(%arg21 : memref<!tpu.dma_semaphore, #tpu.memory_space<semaphore_mem>>)
    %dma_start3A_50 = arith.constant 1 : i32
    %dma_start3A_51 = arith.constant 0 : i32
    %dma_start3A_52 = tpu.memref_slice %arg8[%dma_start3A_50, %dma_start3A_51] : memref<160x128xi32, #tpu.memory_space<vmem>> -> memref<1x128xi32, #tpu.memory_space<vmem>>
    %dma_start3A_53 = tpu.memref_squeeze %dma_start3A_52 : memref<1x128xi32, #tpu.memory_space<vmem>> -> memref<128xi32, #tpu.memory_space<vmem>>
    %dma_start3A_54 = arith.constant 0 : i32
    %dma_start3A_55 = arith.constant 0 : i32
    %dma_start3A_56 = tpu.memref_slice %arg4[%dma_start3A_54, %dma_start3A_55] : memref<20000x64xbf16, #tpu.memory_space<hbm>> -> memref<20000x64xbf16, #tpu.memory_space<hbm>>
    tpu.enqueue_indirect_dma source(%dma_start3A_56 : memref<20000x64xbf16, #tpu.memory_space<hbm>>) target(%arg10 : memref<128x64xbf16, #tpu.memory_space<vmem>>) offsets(%dma_start3A_53 : memref<128xi32, #tpu.memory_space<vmem>>) semaphore(%arg22 : memref<!tpu.dma_semaphore, #tpu.memory_space<semaphore_mem>>)
    %dma_start3A_57 = arith.constant 2 : i32
    %dma_start3A_58 = arith.constant 0 : i32
    %dma_start3A_59 = tpu.memref_slice %arg8[%dma_start3A_57, %dma_start3A_58] : memref<160x128xi32, #tpu.memory_space<vmem>> -> memref<1x128xi32, #tpu.memory_space<vmem>>
    %dma_start3A_60 = tpu.memref_squeeze %dma_start3A_59 : memref<1x128xi32, #tpu.memory_space<vmem>> -> memref<128xi32, #tpu.memory_space<vmem>>
    %dma_start3A_61 = arith.constant 0 : i32
    %dma_start3A_62 = arith.constant 0 : i32
    %dma_start3A_63 = tpu.memref_slice %arg4[%dma_start3A_61, %dma_start3A_62] : memref<20000x64xbf16, #tpu.memory_space<hbm>> -> memref<20000x64xbf16, #tpu.memory_space<hbm>>
    tpu.enqueue_indirect_dma source(%dma_start3A_63 : memref<20000x64xbf16, #tpu.memory_space<hbm>>) target(%arg11 : memref<128x64xbf16, #tpu.memory_space<vmem>>) offsets(%dma_start3A_60 : memref<128xi32, #tpu.memory_space<vmem>>) semaphore(%arg23 : memref<!tpu.dma_semaphore, #tpu.memory_space<semaphore_mem>>)
    %dma_start3A_64 = arith.constant 3 : i32
    %dma_start3A_65 = arith.constant 0 : i32
    %dma_start3A_66 = tpu.memref_slice %arg8[%dma_start3A_64, %dma_start3A_65] : memref<160x128xi32, #tpu.memory_space<vmem>> -> memref<1x128xi32, #tpu.memory_space<vmem>>
    %dma_start3A_67 = tpu.memref_squeeze %dma_start3A_66 : memref<1x128xi32, #tpu.memory_space<vmem>> -> memref<128xi32, #tpu.memory_space<vmem>>
    %dma_start3A_68 = arith.constant 0 : i32
    %dma_start3A_69 = arith.constant 0 : i32
    %dma_start3A_70 = tpu.memref_slice %arg4[%dma_start3A_68, %dma_start3A_69] : memref<20000x64xbf16, #tpu.memory_space<hbm>> -> memref<20000x64xbf16, #tpu.memory_space<hbm>>
    tpu.enqueue_indirect_dma source(%dma_start3A_70 : memref<20000x64xbf16, #tpu.memory_space<hbm>>) target(%arg12 : memref<128x64xbf16, #tpu.memory_space<vmem>>) offsets(%dma_start3A_67 : memref<128xi32, #tpu.memory_space<vmem>>) semaphore(%arg24 : memref<!tpu.dma_semaphore, #tpu.memory_space<semaphore_mem>>)
    %dma_start3A_71 = arith.constant 4 : i32
    %dma_start3A_72 = arith.constant 0 : i32
    %dma_start3A_73 = tpu.memref_slice %arg8[%dma_start3A_71, %dma_start3A_72] : memref<160x128xi32, #tpu.memory_space<vmem>> -> memref<1x128xi32, #tpu.memory_space<vmem>>
    %dma_start3A_74 = tpu.memref_squeeze %dma_start3A_73 : memref<1x128xi32, #tpu.memory_space<vmem>> -> memref<128xi32, #tpu.memory_space<vmem>>
    %dma_start3A_75 = arith.constant 0 : i32
    %dma_start3A_76 = arith.constant 0 : i32
    %dma_start3A_77 = tpu.memref_slice %arg4[%dma_start3A_75, %dma_start3A_76] : memref<20000x64xbf16, #tpu.memory_space<hbm>> -> memref<20000x64xbf16, #tpu.memory_space<hbm>>
    tpu.enqueue_indirect_dma source(%dma_start3A_77 : memref<20000x64xbf16, #tpu.memory_space<hbm>>) target(%arg13 : memref<128x64xbf16, #tpu.memory_space<vmem>>) offsets(%dma_start3A_74 : memref<128xi32, #tpu.memory_space<vmem>>) semaphore(%arg25 : memref<!tpu.dma_semaphore, #tpu.memory_space<semaphore_mem>>)
    %dma_start3A_78 = arith.constant 5 : i32
    %dma_start3A_79 = arith.constant 0 : i32
    %dma_start3A_80 = tpu.memref_slice %arg8[%dma_start3A_78, %dma_start3A_79] : memref<160x128xi32, #tpu.memory_space<vmem>> -> memref<1x128xi32, #tpu.memory_space<vmem>>
    %dma_start3A_81 = tpu.memref_squeeze %dma_start3A_80 : memref<1x128xi32, #tpu.memory_space<vmem>> -> memref<128xi32, #tpu.memory_space<vmem>>
    %dma_start3A_82 = arith.constant 0 : i32
    %dma_start3A_83 = arith.constant 0 : i32
    %dma_start3A_84 = tpu.memref_slice %arg4[%dma_start3A_82, %dma_start3A_83] : memref<20000x64xbf16, #tpu.memory_space<hbm>> -> memref<20000x64xbf16, #tpu.memory_space<hbm>>
    tpu.enqueue_indirect_dma source(%dma_start3A_84 : memref<20000x64xbf16, #tpu.memory_space<hbm>>) target(%arg14 : memref<128x64xbf16, #tpu.memory_space<vmem>>) offsets(%dma_start3A_81 : memref<128xi32, #tpu.memory_space<vmem>>) semaphore(%arg26 : memref<!tpu.dma_semaphore, #tpu.memory_space<semaphore_mem>>)
    %dma_start3A_85 = arith.constant 6 : i32
    %dma_start3A_86 = arith.constant 0 : i32
    %dma_start3A_87 = tpu.memref_slice %arg8[%dma_start3A_85, %dma_start3A_86] : memref<160x128xi32, #tpu.memory_space<vmem>> -> memref<1x128xi32, #tpu.memory_space<vmem>>
    %dma_start3A_88 = tpu.memref_squeeze %dma_start3A_87 : memref<1x128xi32, #tpu.memory_space<vmem>> -> memref<128xi32, #tpu.memory_space<vmem>>
    %dma_start3A_89 = arith.constant 0 : i32
    %dma_start3A_90 = arith.constant 0 : i32
    %dma_start3A_91 = tpu.memref_slice %arg4[%dma_start3A_89, %dma_start3A_90] : memref<20000x64xbf16, #tpu.memory_space<hbm>> -> memref<20000x64xbf16, #tpu.memory_space<hbm>>
    tpu.enqueue_indirect_dma source(%dma_start3A_91 : memref<20000x64xbf16, #tpu.memory_space<hbm>>) target(%arg15 : memref<128x64xbf16, #tpu.memory_space<vmem>>) offsets(%dma_start3A_88 : memref<128xi32, #tpu.memory_space<vmem>>) semaphore(%arg27 : memref<!tpu.dma_semaphore, #tpu.memory_space<semaphore_mem>>)
    %dma_start3A_92 = arith.constant 7 : i32
    %dma_start3A_93 = arith.constant 0 : i32
    %dma_start3A_94 = tpu.memref_slice %arg8[%dma_start3A_92, %dma_start3A_93] : memref<160x128xi32, #tpu.memory_space<vmem>> -> memref<1x128xi32, #tpu.memory_space<vmem>>
    %dma_start3A_95 = tpu.memref_squeeze %dma_start3A_94 : memref<1x128xi32, #tpu.memory_space<vmem>> -> memref<128xi32, #tpu.memory_space<vmem>>
    %dma_start3A_96 = arith.constant 0 : i32
    %dma_start3A_97 = arith.constant 0 : i32
    %dma_start3A_98 = tpu.memref_slice %arg4[%dma_start3A_96, %dma_start3A_97] : memref<20000x64xbf16, #tpu.memory_space<hbm>> -> memref<20000x64xbf16, #tpu.memory_space<hbm>>
    tpu.enqueue_indirect_dma source(%dma_start3A_98 : memref<20000x64xbf16, #tpu.memory_space<hbm>>) target(%arg16 : memref<128x64xbf16, #tpu.memory_space<vmem>>) offsets(%dma_start3A_95 : memref<128xi32, #tpu.memory_space<vmem>>) semaphore(%arg28 : memref<!tpu.dma_semaphore, #tpu.memory_space<semaphore_mem>>)
    %barrier3A = arith.constant 0 : index
    tpu.barrier barrier_id(%barrier3A)
    %scan3A_99 = arith.constant 0 : i32
    %scan3A_100 = arith.constant 0 : i32
    %scan3A_101 = arith.constant 20 : i32
    %scan3A_102 = arith.addi %scan3A_100, %scan3A_101 : i32
    %scan3A_103 = arith.constant 1 : i32
    %scan3A_104 = scf.for %scan3A_114 = %scan3A_100 to %scan3A_102 step %scan3A_103 iter_args(%scan3A_115 = %scan3A_99) -> (i32)  : i32 {
      %mul3A_116 = arith.constant 8 : i32
      %mul3A_117 = arith.muli %mul3A_116, %scan3A_114 : i32
      %add3A_118 = arith.constant 0 : i32
      %add3A_119 = arith.addi %mul3A_117, %add3A_118 : i32
      %dma_wait3A = arith.constant 0 : i32
      %dma_wait3A_120 = tpu.memref_slice %arg8[%add3A_119, %dma_wait3A] : memref<160x128xi32, #tpu.memory_space<vmem>> -> memref<1x128xi32, #tpu.memory_space<vmem>>
      %dma_wait3A_121 = tpu.memref_squeeze %dma_wait3A_120 : memref<1x128xi32, #tpu.memory_space<vmem>> -> memref<128xi32, #tpu.memory_space<vmem>>
      %dma_wait3A_122 = arith.constant 0 : i32
      %dma_wait3A_123 = arith.constant 0 : i32
      %dma_wait3A_124 = tpu.memref_slice %arg4[%dma_wait3A_122, %dma_wait3A_123] : memref<20000x64xbf16, #tpu.memory_space<hbm>> -> memref<20000x64xbf16, #tpu.memory_space<hbm>>
      tpu.wait_indirect_dma semaphore(%arg21 : memref<!tpu.dma_semaphore, #tpu.memory_space<semaphore_mem>>) src(%dma_wait3A_124 : memref<20000x64xbf16, #tpu.memory_space<hbm>>) dst(%arg9 : memref<128x64xbf16, #tpu.memory_space<vmem>>)
      %add3A_125 = arith.constant 0 : i32
      %add3A_126 = arith.addi %mul3A_117, %add3A_125 : i32
      %dma_start3A_127 = arith.constant 0 : i32
      %dma_start3A_128 = tpu.memref_slice %arg7[%add3A_126, %dma_start3A_127] : memref<160x128xi32, #tpu.memory_space<vmem>> -> memref<1x128xi32, #tpu.memory_space<vmem>>
      %dma_start3A_129 = tpu.memref_squeeze %dma_start3A_128 : memref<1x128xi32, #tpu.memory_space<vmem>> -> memref<128xi32, #tpu.memory_space<vmem>>
      %dma_start3A_130 = arith.constant 0 : i32
      %dma_start3A_131 = arith.constant 0 : i32
      %dma_start3A_132 = tpu.memref_slice %arg19[%dma_start3A_130, %dma_start3A_131] : memref<10112x64xbf16, #tpu.memory_space<vmem_shared>> -> memref<10112x64xbf16, #tpu.memory_space<vmem_shared>>
      tpu.enqueue_indirect_dma source(%arg9 : memref<128x64xbf16, #tpu.memory_space<vmem>>) target(%dma_start3A_132 : memref<10112x64xbf16, #tpu.memory_space<vmem_shared>>) offsets(%dma_start3A_129 : memref<128xi32, #tpu.memory_space<vmem>>) semaphore(%arg29 : memref<!tpu.dma_semaphore, #tpu.memory_space<semaphore_mem>>) {add = true}
      %add3A_133 = arith.constant 0 : i32
      %add3A_134 = arith.addi %mul3A_117, %add3A_133 : i32
      %lt3A = arith.constant 80 : i32
      %lt3A_135 = arith.cmpi slt, %add3A_134, %lt3A : i32
      %eq3A = arith.constant 1 : i32
      %eq3A_136 = arith.cmpi eq, %arg0, %eq3A : i32
      %xor3A = arith.xori %lt3A_135, %eq3A_136 : i1
      %convert_element_type3A = arith.extui %xor3A : i1 to i32
      %cond3A = arith.constant 0 : i32
      %cond3A_137 = arith.cmpi ne, %convert_element_type3A, %cond3A : i32
      scf.if %cond3A_137 {
        %dma_start3A_425 = arith.constant 0 : i32
        %dma_start3A_426 = tpu.memref_slice %arg7[%add3A_134, %dma_start3A_425] : memref<160x128xi32, #tpu.memory_space<vmem>> -> memref<1x128xi32, #tpu.memory_space<vmem>>
        %dma_start3A_427 = tpu.memref_squeeze %dma_start3A_426 : memref<1x128xi32, #tpu.memory_space<vmem>> -> memref<128xi32, #tpu.memory_space<vmem>>
        %dma_start3A_428 = arith.constant 0 : i32
        %dma_start3A_429 = arith.constant 0 : i32
        %dma_start3A_430 = tpu.memref_slice %arg20[%dma_start3A_428, %dma_start3A_429] : memref<10112x16xf32, #tpu.memory_space<vmem_shared>> -> memref<10112x16xf32, #tpu.memory_space<vmem_shared>>
        tpu.enqueue_indirect_dma source(%arg18 : memref<128x16xf32, #tpu.memory_space<vmem>>) target(%dma_start3A_430 : memref<10112x16xf32, #tpu.memory_space<vmem_shared>>) offsets(%dma_start3A_427 : memref<128xi32, #tpu.memory_space<vmem>>) semaphore(%arg37 : memref<!tpu.dma_semaphore, #tpu.memory_space<semaphore_mem>>) {add = true}
      } else {
      }
      %add3A_138 = arith.constant 1 : i32
      %add3A_139 = arith.addi %mul3A_117, %add3A_138 : i32
      %dma_wait3A_140 = arith.constant 0 : i32
      %dma_wait3A_141 = tpu.memref_slice %arg8[%add3A_139, %dma_wait3A_140] : memref<160x128xi32, #tpu.memory_space<vmem>> -> memref<1x128xi32, #tpu.memory_space<vmem>>
      %dma_wait3A_142 = tpu.memref_squeeze %dma_wait3A_141 : memref<1x128xi32, #tpu.memory_space<vmem>> -> memref<128xi32, #tpu.memory_space<vmem>>
      %dma_wait3A_143 = arith.constant 0 : i32
      %dma_wait3A_144 = arith.constant 0 : i32
      %dma_wait3A_145 = tpu.memref_slice %arg4[%dma_wait3A_143, %dma_wait3A_144] : memref<20000x64xbf16, #tpu.memory_space<hbm>> -> memref<20000x64xbf16, #tpu.memory_space<hbm>>
      tpu.wait_indirect_dma semaphore(%arg22 : memref<!tpu.dma_semaphore, #tpu.memory_space<semaphore_mem>>) src(%dma_wait3A_145 : memref<20000x64xbf16, #tpu.memory_space<hbm>>) dst(%arg10 : memref<128x64xbf16, #tpu.memory_space<vmem>>)
      %add3A_146 = arith.constant 1 : i32
      %add3A_147 = arith.addi %mul3A_117, %add3A_146 : i32
      %dma_start3A_148 = arith.constant 0 : i32
      %dma_start3A_149 = tpu.memref_slice %arg7[%add3A_147, %dma_start3A_148] : memref<160x128xi32, #tpu.memory_space<vmem>> -> memref<1x128xi32, #tpu.memory_space<vmem>>
      %dma_start3A_150 = tpu.memref_squeeze %dma_start3A_149 : memref<1x128xi32, #tpu.memory_space<vmem>> -> memref<128xi32, #tpu.memory_space<vmem>>
      %dma_start3A_151 = arith.constant 0 : i32
      %dma_start3A_152 = arith.constant 0 : i32
      %dma_start3A_153 = tpu.memref_slice %arg19[%dma_start3A_151, %dma_start3A_152] : memref<10112x64xbf16, #tpu.memory_space<vmem_shared>> -> memref<10112x64xbf16, #tpu.memory_space<vmem_shared>>
      tpu.enqueue_indirect_dma source(%arg10 : memref<128x64xbf16, #tpu.memory_space<vmem>>) target(%dma_start3A_153 : memref<10112x64xbf16, #tpu.memory_space<vmem_shared>>) offsets(%dma_start3A_150 : memref<128xi32, #tpu.memory_space<vmem>>) semaphore(%arg30 : memref<!tpu.dma_semaphore, #tpu.memory_space<semaphore_mem>>) {add = true}
      %add3A_154 = arith.constant 1 : i32
      %add3A_155 = arith.addi %mul3A_117, %add3A_154 : i32
      %lt3A_156 = arith.constant 80 : i32
      %lt3A_157 = arith.cmpi slt, %add3A_155, %lt3A_156 : i32
      %eq3A_158 = arith.constant 1 : i32
      %eq3A_159 = arith.cmpi eq, %arg0, %eq3A_158 : i32
      %xor3A_160 = arith.xori %lt3A_157, %eq3A_159 : i1
      %convert_element_type3A_161 = arith.extui %xor3A_160 : i1 to i32
      %cond3A_162 = arith.constant 0 : i32
      %cond3A_163 = arith.cmpi ne, %convert_element_type3A_161, %cond3A_162 : i32
      scf.if %cond3A_163 {
        %dma_start3A_425 = arith.constant 0 : i32
        %dma_start3A_426 = tpu.memref_slice %arg7[%add3A_155, %dma_start3A_425] : memref<160x128xi32, #tpu.memory_space<vmem>> -> memref<1x128xi32, #tpu.memory_space<vmem>>
        %dma_start3A_427 = tpu.memref_squeeze %dma_start3A_426 : memref<1x128xi32, #tpu.memory_space<vmem>> -> memref<128xi32, #tpu.memory_space<vmem>>
        %dma_start3A_428 = arith.constant 0 : i32
        %dma_start3A_429 = arith.constant 0 : i32
        %dma_start3A_430 = tpu.memref_slice %arg20[%dma_start3A_428, %dma_start3A_429] : memref<10112x16xf32, #tpu.memory_space<vmem_shared>> -> memref<10112x16xf32, #tpu.memory_space<vmem_shared>>
        tpu.enqueue_indirect_dma source(%arg18 : memref<128x16xf32, #tpu.memory_space<vmem>>) target(%dma_start3A_430 : memref<10112x16xf32, #tpu.memory_space<vmem_shared>>) offsets(%dma_start3A_427 : memref<128xi32, #tpu.memory_space<vmem>>) semaphore(%arg37 : memref<!tpu.dma_semaphore, #tpu.memory_space<semaphore_mem>>) {add = true}
      } else {
      }
      %add3A_164 = arith.constant 2 : i32
      %add3A_165 = arith.addi %mul3A_117, %add3A_164 : i32
      %dma_wait3A_166 = arith.constant 0 : i32
      %dma_wait3A_167 = tpu.memref_slice %arg8[%add3A_165, %dma_wait3A_166] : memref<160x128xi32, #tpu.memory_space<vmem>> -> memref<1x128xi32, #tpu.memory_space<vmem>>
      %dma_wait3A_168 = tpu.memref_squeeze %dma_wait3A_167 : memref<1x128xi32, #tpu.memory_space<vmem>> -> memref<128xi32, #tpu.memory_space<vmem>>
      %dma_wait3A_169 = arith.constant 0 : i32
      %dma_wait3A_170 = arith.constant 0 : i32
      %dma_wait3A_171 = tpu.memref_slice %arg4[%dma_wait3A_169, %dma_wait3A_170] : memref<20000x64xbf16, #tpu.memory_space<hbm>> -> memref<20000x64xbf16, #tpu.memory_space<hbm>>
      tpu.wait_indirect_dma semaphore(%arg23 : memref<!tpu.dma_semaphore, #tpu.memory_space<semaphore_mem>>) src(%dma_wait3A_171 : memref<20000x64xbf16, #tpu.memory_space<hbm>>) dst(%arg11 : memref<128x64xbf16, #tpu.memory_space<vmem>>)
      %add3A_172 = arith.constant 2 : i32
      %add3A_173 = arith.addi %mul3A_117, %add3A_172 : i32
      %dma_start3A_174 = arith.constant 0 : i32
      %dma_start3A_175 = tpu.memref_slice %arg7[%add3A_173, %dma_start3A_174] : memref<160x128xi32, #tpu.memory_space<vmem>> -> memref<1x128xi32, #tpu.memory_space<vmem>>
      %dma_start3A_176 = tpu.memref_squeeze %dma_start3A_175 : memref<1x128xi32, #tpu.memory_space<vmem>> -> memref<128xi32, #tpu.memory_space<vmem>>
      %dma_start3A_177 = arith.constant 0 : i32
      %dma_start3A_178 = arith.constant 0 : i32
      %dma_start3A_179 = tpu.memref_slice %arg19[%dma_start3A_177, %dma_start3A_178] : memref<10112x64xbf16, #tpu.memory_space<vmem_shared>> -> memref<10112x64xbf16, #tpu.memory_space<vmem_shared>>
      tpu.enqueue_indirect_dma source(%arg11 : memref<128x64xbf16, #tpu.memory_space<vmem>>) target(%dma_start3A_179 : memref<10112x64xbf16, #tpu.memory_space<vmem_shared>>) offsets(%dma_start3A_176 : memref<128xi32, #tpu.memory_space<vmem>>) semaphore(%arg31 : memref<!tpu.dma_semaphore, #tpu.memory_space<semaphore_mem>>) {add = true}
      %add3A_180 = arith.constant 2 : i32
      %add3A_181 = arith.addi %mul3A_117, %add3A_180 : i32
      %lt3A_182 = arith.constant 80 : i32
      %lt3A_183 = arith.cmpi slt, %add3A_181, %lt3A_182 : i32
      %eq3A_184 = arith.constant 1 : i32
      %eq3A_185 = arith.cmpi eq, %arg0, %eq3A_184 : i32
      %xor3A_186 = arith.xori %lt3A_183, %eq3A_185 : i1
      %convert_element_type3A_187 = arith.extui %xor3A_186 : i1 to i32
      %cond3A_188 = arith.constant 0 : i32
      %cond3A_189 = arith.cmpi ne, %convert_element_type3A_187, %cond3A_188 : i32
      scf.if %cond3A_189 {
        %dma_start3A_425 = arith.constant 0 : i32
        %dma_start3A_426 = tpu.memref_slice %arg7[%add3A_181, %dma_start3A_425] : memref<160x128xi32, #tpu.memory_space<vmem>> -> memref<1x128xi32, #tpu.memory_space<vmem>>
        %dma_start3A_427 = tpu.memref_squeeze %dma_start3A_426 : memref<1x128xi32, #tpu.memory_space<vmem>> -> memref<128xi32, #tpu.memory_space<vmem>>
        %dma_start3A_428 = arith.constant 0 : i32
        %dma_start3A_429 = arith.constant 0 : i32
        %dma_start3A_430 = tpu.memref_slice %arg20[%dma_start3A_428, %dma_start3A_429] : memref<10112x16xf32, #tpu.memory_space<vmem_shared>> -> memref<10112x16xf32, #tpu.memory_space<vmem_shared>>
        tpu.enqueue_indirect_dma source(%arg18 : memref<128x16xf32, #tpu.memory_space<vmem>>) target(%dma_start3A_430 : memref<10112x16xf32, #tpu.memory_space<vmem_shared>>) offsets(%dma_start3A_427 : memref<128xi32, #tpu.memory_space<vmem>>) semaphore(%arg37 : memref<!tpu.dma_semaphore, #tpu.memory_space<semaphore_mem>>) {add = true}
      } else {
      }
      %add3A_190 = arith.constant 3 : i32
      %add3A_191 = arith.addi %mul3A_117, %add3A_190 : i32
      %dma_wait3A_192 = arith.constant 0 : i32
      %dma_wait3A_193 = tpu.memref_slice %arg8[%add3A_191, %dma_wait3A_192] : memref<160x128xi32, #tpu.memory_space<vmem>> -> memref<1x128xi32, #tpu.memory_space<vmem>>
      %dma_wait3A_194 = tpu.memref_squeeze %dma_wait3A_193 : memref<1x128xi32, #tpu.memory_space<vmem>> -> memref<128xi32, #tpu.memory_space<vmem>>
      %dma_wait3A_195 = arith.constant 0 : i32
      %dma_wait3A_196 = arith.constant 0 : i32
      %dma_wait3A_197 = tpu.memref_slice %arg4[%dma_wait3A_195, %dma_wait3A_196] : memref<20000x64xbf16, #tpu.memory_space<hbm>> -> memref<20000x64xbf16, #tpu.memory_space<hbm>>
      tpu.wait_indirect_dma semaphore(%arg24 : memref<!tpu.dma_semaphore, #tpu.memory_space<semaphore_mem>>) src(%dma_wait3A_197 : memref<20000x64xbf16, #tpu.memory_space<hbm>>) dst(%arg12 : memref<128x64xbf16, #tpu.memory_space<vmem>>)
      %add3A_198 = arith.constant 3 : i32
      %add3A_199 = arith.addi %mul3A_117, %add3A_198 : i32
      %dma_start3A_200 = arith.constant 0 : i32
      %dma_start3A_201 = tpu.memref_slice %arg7[%add3A_199, %dma_start3A_200] : memref<160x128xi32, #tpu.memory_space<vmem>> -> memref<1x128xi32, #tpu.memory_space<vmem>>
      %dma_start3A_202 = tpu.memref_squeeze %dma_start3A_201 : memref<1x128xi32, #tpu.memory_space<vmem>> -> memref<128xi32, #tpu.memory_space<vmem>>
      %dma_start3A_203 = arith.constant 0 : i32
      %dma_start3A_204 = arith.constant 0 : i32
      %dma_start3A_205 = tpu.memref_slice %arg19[%dma_start3A_203, %dma_start3A_204] : memref<10112x64xbf16, #tpu.memory_space<vmem_shared>> -> memref<10112x64xbf16, #tpu.memory_space<vmem_shared>>
      tpu.enqueue_indirect_dma source(%arg12 : memref<128x64xbf16, #tpu.memory_space<vmem>>) target(%dma_start3A_205 : memref<10112x64xbf16, #tpu.memory_space<vmem_shared>>) offsets(%dma_start3A_202 : memref<128xi32, #tpu.memory_space<vmem>>) semaphore(%arg32 : memref<!tpu.dma_semaphore, #tpu.memory_space<semaphore_mem>>) {add = true}
      %add3A_206 = arith.constant 3 : i32
      %add3A_207 = arith.addi %mul3A_117, %add3A_206 : i32
      %lt3A_208 = arith.constant 80 : i32
      %lt3A_209 = arith.cmpi slt, %add3A_207, %lt3A_208 : i32
      %eq3A_210 = arith.constant 1 : i32
      %eq3A_211 = arith.cmpi eq, %arg0, %eq3A_210 : i32
      %xor3A_212 = arith.xori %lt3A_209, %eq3A_211 : i1
      %convert_element_type3A_213 = arith.extui %xor3A_212 : i1 to i32
      %cond3A_214 = arith.constant 0 : i32
      %cond3A_215 = arith.cmpi ne, %convert_element_type3A_213, %cond3A_214 : i32
      scf.if %cond3A_215 {
        %dma_start3A_425 = arith.constant 0 : i32
        %dma_start3A_426 = tpu.memref_slice %arg7[%add3A_207, %dma_start3A_425] : memref<160x128xi32, #tpu.memory_space<vmem>> -> memref<1x128xi32, #tpu.memory_space<vmem>>
        %dma_start3A_427 = tpu.memref_squeeze %dma_start3A_426 : memref<1x128xi32, #tpu.memory_space<vmem>> -> memref<128xi32, #tpu.memory_space<vmem>>
        %dma_start3A_428 = arith.constant 0 : i32
        %dma_start3A_429 = arith.constant 0 : i32
        %dma_start3A_430 = tpu.memref_slice %arg20[%dma_start3A_428, %dma_start3A_429] : memref<10112x16xf32, #tpu.memory_space<vmem_shared>> -> memref<10112x16xf32, #tpu.memory_space<vmem_shared>>
        tpu.enqueue_indirect_dma source(%arg18 : memref<128x16xf32, #tpu.memory_space<vmem>>) target(%dma_start3A_430 : memref<10112x16xf32, #tpu.memory_space<vmem_shared>>) offsets(%dma_start3A_427 : memref<128xi32, #tpu.memory_space<vmem>>) semaphore(%arg37 : memref<!tpu.dma_semaphore, #tpu.memory_space<semaphore_mem>>) {add = true}
      } else {
      }
      %add3A_216 = arith.constant 4 : i32
      %add3A_217 = arith.addi %mul3A_117, %add3A_216 : i32
      %dma_wait3A_218 = arith.constant 0 : i32
      %dma_wait3A_219 = tpu.memref_slice %arg8[%add3A_217, %dma_wait3A_218] : memref<160x128xi32, #tpu.memory_space<vmem>> -> memref<1x128xi32, #tpu.memory_space<vmem>>
      %dma_wait3A_220 = tpu.memref_squeeze %dma_wait3A_219 : memref<1x128xi32, #tpu.memory_space<vmem>> -> memref<128xi32, #tpu.memory_space<vmem>>
      %dma_wait3A_221 = arith.constant 0 : i32
      %dma_wait3A_222 = arith.constant 0 : i32
      %dma_wait3A_223 = tpu.memref_slice %arg4[%dma_wait3A_221, %dma_wait3A_222] : memref<20000x64xbf16, #tpu.memory_space<hbm>> -> memref<20000x64xbf16, #tpu.memory_space<hbm>>
      tpu.wait_indirect_dma semaphore(%arg25 : memref<!tpu.dma_semaphore, #tpu.memory_space<semaphore_mem>>) src(%dma_wait3A_223 : memref<20000x64xbf16, #tpu.memory_space<hbm>>) dst(%arg13 : memref<128x64xbf16, #tpu.memory_space<vmem>>)
      %add3A_224 = arith.constant 4 : i32
      %add3A_225 = arith.addi %mul3A_117, %add3A_224 : i32
      %dma_start3A_226 = arith.constant 0 : i32
      %dma_start3A_227 = tpu.memref_slice %arg7[%add3A_225, %dma_start3A_226] : memref<160x128xi32, #tpu.memory_space<vmem>> -> memref<1x128xi32, #tpu.memory_space<vmem>>
      %dma_start3A_228 = tpu.memref_squeeze %dma_start3A_227 : memref<1x128xi32, #tpu.memory_space<vmem>> -> memref<128xi32, #tpu.memory_space<vmem>>
      %dma_start3A_229 = arith.constant 0 : i32
      %dma_start3A_230 = arith.constant 0 : i32
      %dma_start3A_231 = tpu.memref_slice %arg19[%dma_start3A_229, %dma_start3A_230] : memref<10112x64xbf16, #tpu.memory_space<vmem_shared>> -> memref<10112x64xbf16, #tpu.memory_space<vmem_shared>>
      tpu.enqueue_indirect_dma source(%arg13 : memref<128x64xbf16, #tpu.memory_space<vmem>>) target(%dma_start3A_231 : memref<10112x64xbf16, #tpu.memory_space<vmem_shared>>) offsets(%dma_start3A_228 : memref<128xi32, #tpu.memory_space<vmem>>) semaphore(%arg33 : memref<!tpu.dma_semaphore, #tpu.memory_space<semaphore_mem>>) {add = true}
      %add3A_232 = arith.constant 4 : i32
      %add3A_233 = arith.addi %mul3A_117, %add3A_232 : i32
      %lt3A_234 = arith.constant 80 : i32
      %lt3A_235 = arith.cmpi slt, %add3A_233, %lt3A_234 : i32
      %eq3A_236 = arith.constant 1 : i32
      %eq3A_237 = arith.cmpi eq, %arg0, %eq3A_236 : i32
      %xor3A_238 = arith.xori %lt3A_235, %eq3A_237 : i1
      %convert_element_type3A_239 = arith.extui %xor3A_238 : i1 to i32
      %cond3A_240 = arith.constant 0 : i32
      %cond3A_241 = arith.cmpi ne, %convert_element_type3A_239, %cond3A_240 : i32
      scf.if %cond3A_241 {
        %dma_start3A_425 = arith.constant 0 : i32
        %dma_start3A_426 = tpu.memref_slice %arg7[%add3A_233, %dma_start3A_425] : memref<160x128xi32, #tpu.memory_space<vmem>> -> memref<1x128xi32, #tpu.memory_space<vmem>>
        %dma_start3A_427 = tpu.memref_squeeze %dma_start3A_426 : memref<1x128xi32, #tpu.memory_space<vmem>> -> memref<128xi32, #tpu.memory_space<vmem>>
        %dma_start3A_428 = arith.constant 0 : i32
        %dma_start3A_429 = arith.constant 0 : i32
        %dma_start3A_430 = tpu.memref_slice %arg20[%dma_start3A_428, %dma_start3A_429] : memref<10112x16xf32, #tpu.memory_space<vmem_shared>> -> memref<10112x16xf32, #tpu.memory_space<vmem_shared>>
        tpu.enqueue_indirect_dma source(%arg18 : memref<128x16xf32, #tpu.memory_space<vmem>>) target(%dma_start3A_430 : memref<10112x16xf32, #tpu.memory_space<vmem_shared>>) offsets(%dma_start3A_427 : memref<128xi32, #tpu.memory_space<vmem>>) semaphore(%arg37 : memref<!tpu.dma_semaphore, #tpu.memory_space<semaphore_mem>>) {add = true}
      } else {
      }
      %add3A_242 = arith.constant 5 : i32
      %add3A_243 = arith.addi %mul3A_117, %add3A_242 : i32
      %dma_wait3A_244 = arith.constant 0 : i32
      %dma_wait3A_245 = tpu.memref_slice %arg8[%add3A_243, %dma_wait3A_244] : memref<160x128xi32, #tpu.memory_space<vmem>> -> memref<1x128xi32, #tpu.memory_space<vmem>>
      %dma_wait3A_246 = tpu.memref_squeeze %dma_wait3A_245 : memref<1x128xi32, #tpu.memory_space<vmem>> -> memref<128xi32, #tpu.memory_space<vmem>>
      %dma_wait3A_247 = arith.constant 0 : i32
      %dma_wait3A_248 = arith.constant 0 : i32
      %dma_wait3A_249 = tpu.memref_slice %arg4[%dma_wait3A_247, %dma_wait3A_248] : memref<20000x64xbf16, #tpu.memory_space<hbm>> -> memref<20000x64xbf16, #tpu.memory_space<hbm>>
      tpu.wait_indirect_dma semaphore(%arg26 : memref<!tpu.dma_semaphore, #tpu.memory_space<semaphore_mem>>) src(%dma_wait3A_249 : memref<20000x64xbf16, #tpu.memory_space<hbm>>) dst(%arg14 : memref<128x64xbf16, #tpu.memory_space<vmem>>)
      %add3A_250 = arith.constant 5 : i32
      %add3A_251 = arith.addi %mul3A_117, %add3A_250 : i32
      %dma_start3A_252 = arith.constant 0 : i32
      %dma_start3A_253 = tpu.memref_slice %arg7[%add3A_251, %dma_start3A_252] : memref<160x128xi32, #tpu.memory_space<vmem>> -> memref<1x128xi32, #tpu.memory_space<vmem>>
      %dma_start3A_254 = tpu.memref_squeeze %dma_start3A_253 : memref<1x128xi32, #tpu.memory_space<vmem>> -> memref<128xi32, #tpu.memory_space<vmem>>
      %dma_start3A_255 = arith.constant 0 : i32
      %dma_start3A_256 = arith.constant 0 : i32
      %dma_start3A_257 = tpu.memref_slice %arg19[%dma_start3A_255, %dma_start3A_256] : memref<10112x64xbf16, #tpu.memory_space<vmem_shared>> -> memref<10112x64xbf16, #tpu.memory_space<vmem_shared>>
      tpu.enqueue_indirect_dma source(%arg14 : memref<128x64xbf16, #tpu.memory_space<vmem>>) target(%dma_start3A_257 : memref<10112x64xbf16, #tpu.memory_space<vmem_shared>>) offsets(%dma_start3A_254 : memref<128xi32, #tpu.memory_space<vmem>>) semaphore(%arg34 : memref<!tpu.dma_semaphore, #tpu.memory_space<semaphore_mem>>) {add = true}
      %add3A_258 = arith.constant 5 : i32
      %add3A_259 = arith.addi %mul3A_117, %add3A_258 : i32
      %lt3A_260 = arith.constant 80 : i32
      %lt3A_261 = arith.cmpi slt, %add3A_259, %lt3A_260 : i32
      %eq3A_262 = arith.constant 1 : i32
      %eq3A_263 = arith.cmpi eq, %arg0, %eq3A_262 : i32
      %xor3A_264 = arith.xori %lt3A_261, %eq3A_263 : i1
      %convert_element_type3A_265 = arith.extui %xor3A_264 : i1 to i32
      %cond3A_266 = arith.constant 0 : i32
      %cond3A_267 = arith.cmpi ne, %convert_element_type3A_265, %cond3A_266 : i32
      scf.if %cond3A_267 {
        %dma_start3A_425 = arith.constant 0 : i32
        %dma_start3A_426 = tpu.memref_slice %arg7[%add3A_259, %dma_start3A_425] : memref<160x128xi32, #tpu.memory_space<vmem>> -> memref<1x128xi32, #tpu.memory_space<vmem>>
        %dma_start3A_427 = tpu.memref_squeeze %dma_start3A_426 : memref<1x128xi32, #tpu.memory_space<vmem>> -> memref<128xi32, #tpu.memory_space<vmem>>
        %dma_start3A_428 = arith.constant 0 : i32
        %dma_start3A_429 = arith.constant 0 : i32
        %dma_start3A_430 = tpu.memref_slice %arg20[%dma_start3A_428, %dma_start3A_429] : memref<10112x16xf32, #tpu.memory_space<vmem_shared>> -> memref<10112x16xf32, #tpu.memory_space<vmem_shared>>
        tpu.enqueue_indirect_dma source(%arg18 : memref<128x16xf32, #tpu.memory_space<vmem>>) target(%dma_start3A_430 : memref<10112x16xf32, #tpu.memory_space<vmem_shared>>) offsets(%dma_start3A_427 : memref<128xi32, #tpu.memory_space<vmem>>) semaphore(%arg37 : memref<!tpu.dma_semaphore, #tpu.memory_space<semaphore_mem>>) {add = true}
      } else {
      }
      %add3A_268 = arith.constant 6 : i32
      %add3A_269 = arith.addi %mul3A_117, %add3A_268 : i32
      %dma_wait3A_270 = arith.constant 0 : i32
      %dma_wait3A_271 = tpu.memref_slice %arg8[%add3A_269, %dma_wait3A_270] : memref<160x128xi32, #tpu.memory_space<vmem>> -> memref<1x128xi32, #tpu.memory_space<vmem>>
      %dma_wait3A_272 = tpu.memref_squeeze %dma_wait3A_271 : memref<1x128xi32, #tpu.memory_space<vmem>> -> memref<128xi32, #tpu.memory_space<vmem>>
      %dma_wait3A_273 = arith.constant 0 : i32
      %dma_wait3A_274 = arith.constant 0 : i32
      %dma_wait3A_275 = tpu.memref_slice %arg4[%dma_wait3A_273, %dma_wait3A_274] : memref<20000x64xbf16, #tpu.memory_space<hbm>> -> memref<20000x64xbf16, #tpu.memory_space<hbm>>
      tpu.wait_indirect_dma semaphore(%arg27 : memref<!tpu.dma_semaphore, #tpu.memory_space<semaphore_mem>>) src(%dma_wait3A_275 : memref<20000x64xbf16, #tpu.memory_space<hbm>>) dst(%arg15 : memref<128x64xbf16, #tpu.memory_space<vmem>>)
      %add3A_276 = arith.constant 6 : i32
      %add3A_277 = arith.addi %mul3A_117, %add3A_276 : i32
      %dma_start3A_278 = arith.constant 0 : i32
      %dma_start3A_279 = tpu.memref_slice %arg7[%add3A_277, %dma_start3A_278] : memref<160x128xi32, #tpu.memory_space<vmem>> -> memref<1x128xi32, #tpu.memory_space<vmem>>
      %dma_start3A_280 = tpu.memref_squeeze %dma_start3A_279 : memref<1x128xi32, #tpu.memory_space<vmem>> -> memref<128xi32, #tpu.memory_space<vmem>>
      %dma_start3A_281 = arith.constant 0 : i32
      %dma_start3A_282 = arith.constant 0 : i32
      %dma_start3A_283 = tpu.memref_slice %arg19[%dma_start3A_281, %dma_start3A_282] : memref<10112x64xbf16, #tpu.memory_space<vmem_shared>> -> memref<10112x64xbf16, #tpu.memory_space<vmem_shared>>
      tpu.enqueue_indirect_dma source(%arg15 : memref<128x64xbf16, #tpu.memory_space<vmem>>) target(%dma_start3A_283 : memref<10112x64xbf16, #tpu.memory_space<vmem_shared>>) offsets(%dma_start3A_280 : memref<128xi32, #tpu.memory_space<vmem>>) semaphore(%arg35 : memref<!tpu.dma_semaphore, #tpu.memory_space<semaphore_mem>>) {add = true}
      %add3A_284 = arith.constant 6 : i32
      %add3A_285 = arith.addi %mul3A_117, %add3A_284 : i32
      %lt3A_286 = arith.constant 80 : i32
      %lt3A_287 = arith.cmpi slt, %add3A_285, %lt3A_286 : i32
      %eq3A_288 = arith.constant 1 : i32
      %eq3A_289 = arith.cmpi eq, %arg0, %eq3A_288 : i32
      %xor3A_290 = arith.xori %lt3A_287, %eq3A_289 : i1
      %convert_element_type3A_291 = arith.extui %xor3A_290 : i1 to i32
      %cond3A_292 = arith.constant 0 : i32
      %cond3A_293 = arith.cmpi ne, %convert_element_type3A_291, %cond3A_292 : i32
      scf.if %cond3A_293 {
        %dma_start3A_425 = arith.constant 0 : i32
        %dma_start3A_426 = tpu.memref_slice %arg7[%add3A_285, %dma_start3A_425] : memref<160x128xi32, #tpu.memory_space<vmem>> -> memref<1x128xi32, #tpu.memory_space<vmem>>
        %dma_start3A_427 = tpu.memref_squeeze %dma_start3A_426 : memref<1x128xi32, #tpu.memory_space<vmem>> -> memref<128xi32, #tpu.memory_space<vmem>>
        %dma_start3A_428 = arith.constant 0 : i32
        %dma_start3A_429 = arith.constant 0 : i32
        %dma_start3A_430 = tpu.memref_slice %arg20[%dma_start3A_428, %dma_start3A_429] : memref<10112x16xf32, #tpu.memory_space<vmem_shared>> -> memref<10112x16xf32, #tpu.memory_space<vmem_shared>>
        tpu.enqueue_indirect_dma source(%arg18 : memref<128x16xf32, #tpu.memory_space<vmem>>) target(%dma_start3A_430 : memref<10112x16xf32, #tpu.memory_space<vmem_shared>>) offsets(%dma_start3A_427 : memref<128xi32, #tpu.memory_space<vmem>>) semaphore(%arg37 : memref<!tpu.dma_semaphore, #tpu.memory_space<semaphore_mem>>) {add = true}
      } else {
      }
      %add3A_294 = arith.constant 7 : i32
      %add3A_295 = arith.addi %mul3A_117, %add3A_294 : i32
      %dma_wait3A_296 = arith.constant 0 : i32
      %dma_wait3A_297 = tpu.memref_slice %arg8[%add3A_295, %dma_wait3A_296] : memref<160x128xi32, #tpu.memory_space<vmem>> -> memref<1x128xi32, #tpu.memory_space<vmem>>
      %dma_wait3A_298 = tpu.memref_squeeze %dma_wait3A_297 : memref<1x128xi32, #tpu.memory_space<vmem>> -> memref<128xi32, #tpu.memory_space<vmem>>
      %dma_wait3A_299 = arith.constant 0 : i32
      %dma_wait3A_300 = arith.constant 0 : i32
      %dma_wait3A_301 = tpu.memref_slice %arg4[%dma_wait3A_299, %dma_wait3A_300] : memref<20000x64xbf16, #tpu.memory_space<hbm>> -> memref<20000x64xbf16, #tpu.memory_space<hbm>>
      tpu.wait_indirect_dma semaphore(%arg28 : memref<!tpu.dma_semaphore, #tpu.memory_space<semaphore_mem>>) src(%dma_wait3A_301 : memref<20000x64xbf16, #tpu.memory_space<hbm>>) dst(%arg16 : memref<128x64xbf16, #tpu.memory_space<vmem>>)
      %add3A_302 = arith.constant 7 : i32
      %add3A_303 = arith.addi %mul3A_117, %add3A_302 : i32
      %dma_start3A_304 = arith.constant 0 : i32
      %dma_start3A_305 = tpu.memref_slice %arg7[%add3A_303, %dma_start3A_304] : memref<160x128xi32, #tpu.memory_space<vmem>> -> memref<1x128xi32, #tpu.memory_space<vmem>>
      %dma_start3A_306 = tpu.memref_squeeze %dma_start3A_305 : memref<1x128xi32, #tpu.memory_space<vmem>> -> memref<128xi32, #tpu.memory_space<vmem>>
      %dma_start3A_307 = arith.constant 0 : i32
      %dma_start3A_308 = arith.constant 0 : i32
      %dma_start3A_309 = tpu.memref_slice %arg19[%dma_start3A_307, %dma_start3A_308] : memref<10112x64xbf16, #tpu.memory_space<vmem_shared>> -> memref<10112x64xbf16, #tpu.memory_space<vmem_shared>>
      tpu.enqueue_indirect_dma source(%arg16 : memref<128x64xbf16, #tpu.memory_space<vmem>>) target(%dma_start3A_309 : memref<10112x64xbf16, #tpu.memory_space<vmem_shared>>) offsets(%dma_start3A_306 : memref<128xi32, #tpu.memory_space<vmem>>) semaphore(%arg36 : memref<!tpu.dma_semaphore, #tpu.memory_space<semaphore_mem>>) {add = true}
      %add3A_310 = arith.constant 7 : i32
      %add3A_311 = arith.addi %mul3A_117, %add3A_310 : i32
      %lt3A_312 = arith.constant 80 : i32
      %lt3A_313 = arith.cmpi slt, %add3A_311, %lt3A_312 : i32
      %eq3A_314 = arith.constant 1 : i32
      %eq3A_315 = arith.cmpi eq, %arg0, %eq3A_314 : i32
      %xor3A_316 = arith.xori %lt3A_313, %eq3A_315 : i1
      %convert_element_type3A_317 = arith.extui %xor3A_316 : i1 to i32
      %cond3A_318 = arith.constant 0 : i32
      %cond3A_319 = arith.cmpi ne, %convert_element_type3A_317, %cond3A_318 : i32
      scf.if %cond3A_319 {
        %dma_start3A_425 = arith.constant 0 : i32
        %dma_start3A_426 = tpu.memref_slice %arg7[%add3A_311, %dma_start3A_425] : memref<160x128xi32, #tpu.memory_space<vmem>> -> memref<1x128xi32, #tpu.memory_space<vmem>>
        %dma_start3A_427 = tpu.memref_squeeze %dma_start3A_426 : memref<1x128xi32, #tpu.memory_space<vmem>> -> memref<128xi32, #tpu.memory_space<vmem>>
        %dma_start3A_428 = arith.constant 0 : i32
        %dma_start3A_429 = arith.constant 0 : i32
        %dma_start3A_430 = tpu.memref_slice %arg20[%dma_start3A_428, %dma_start3A_429] : memref<10112x16xf32, #tpu.memory_space<vmem_shared>> -> memref<10112x16xf32, #tpu.memory_space<vmem_shared>>
        tpu.enqueue_indirect_dma source(%arg18 : memref<128x16xf32, #tpu.memory_space<vmem>>) target(%dma_start3A_430 : memref<10112x16xf32, #tpu.memory_space<vmem_shared>>) offsets(%dma_start3A_427 : memref<128xi32, #tpu.memory_space<vmem>>) semaphore(%arg37 : memref<!tpu.dma_semaphore, #tpu.memory_space<semaphore_mem>>) {add = true}
      } else {
      }
      %add3A_320 = arith.constant 0 : i32
      %add3A_321 = arith.addi %mul3A_117, %add3A_320 : i32
      %dma_wait3A_322 = arith.constant 0 : i32
      %dma_wait3A_323 = tpu.memref_slice %arg7[%add3A_321, %dma_wait3A_322] : memref<160x128xi32, #tpu.memory_space<vmem>> -> memref<1x128xi32, #tpu.memory_space<vmem>>
      %dma_wait3A_324 = tpu.memref_squeeze %dma_wait3A_323 : memref<1x128xi32, #tpu.memory_space<vmem>> -> memref<128xi32, #tpu.memory_space<vmem>>
      %dma_wait3A_325 = arith.constant 0 : i32
      %dma_wait3A_326 = arith.constant 0 : i32
      %dma_wait3A_327 = tpu.memref_slice %arg19[%dma_wait3A_325, %dma_wait3A_326] : memref<10112x64xbf16, #tpu.memory_space<vmem_shared>> -> memref<10112x64xbf16, #tpu.memory_space<vmem_shared>>
      tpu.wait_indirect_dma semaphore(%arg29 : memref<!tpu.dma_semaphore, #tpu.memory_space<semaphore_mem>>) src(%arg9 : memref<128x64xbf16, #tpu.memory_space<vmem>>) dst(%dma_wait3A_327 : memref<10112x64xbf16, #tpu.memory_space<vmem_shared>>)
      %lt3A_328 = arith.constant 19 : i32
      %lt3A_329 = arith.cmpi slt, %scan3A_114, %lt3A_328 : i32
      %convert_element_type3A_330 = arith.extui %lt3A_329 : i1 to i32
      %cond3A_331 = arith.constant 0 : i32
      %cond3A_332 = arith.cmpi ne, %convert_element_type3A_330, %cond3A_331 : i32
      scf.if %cond3A_332 {
        %add3A_425 = arith.constant 8 : i32
        %add3A_426 = arith.addi %mul3A_117, %add3A_425 : i32
        %add3A_427 = arith.constant 0 : i32
        %add3A_428 = arith.addi %add3A_426, %add3A_427 : i32
        %dma_start3A_429 = arith.constant 0 : i32
        %dma_start3A_430 = tpu.memref_slice %arg8[%add3A_428, %dma_start3A_429] : memref<160x128xi32, #tpu.memory_space<vmem>> -> memref<1x128xi32, #tpu.memory_space<vmem>>
        %dma_start3A_431 = tpu.memref_squeeze %dma_start3A_430 : memref<1x128xi32, #tpu.memory_space<vmem>> -> memref<128xi32, #tpu.memory_space<vmem>>
        %dma_start3A_432 = arith.constant 0 : i32
        %dma_start3A_433 = arith.constant 0 : i32
        %dma_start3A_434 = tpu.memref_slice %arg4[%dma_start3A_432, %dma_start3A_433] : memref<20000x64xbf16, #tpu.memory_space<hbm>> -> memref<20000x64xbf16, #tpu.memory_space<hbm>>
        tpu.enqueue_indirect_dma source(%dma_start3A_434 : memref<20000x64xbf16, #tpu.memory_space<hbm>>) target(%arg9 : memref<128x64xbf16, #tpu.memory_space<vmem>>) offsets(%dma_start3A_431 : memref<128xi32, #tpu.memory_space<vmem>>) semaphore(%arg21 : memref<!tpu.dma_semaphore, #tpu.memory_space<semaphore_mem>>)
      } else {
      }
      %add3A_333 = arith.constant 1 : i32
      %add3A_334 = arith.addi %mul3A_117, %add3A_333 : i32
      %dma_wait3A_335 = arith.constant 0 : i32
      %dma_wait3A_336 = tpu.memref_slice %arg7[%add3A_334, %dma_wait3A_335] : memref<160x128xi32, #tpu.memory_space<vmem>> -> memref<1x128xi32, #tpu.memory_space<vmem>>
      %dma_wait3A_337 = tpu.memref_squeeze %dma_wait3A_336 : memref<1x128xi32, #tpu.memory_space<vmem>> -> memref<128xi32, #tpu.memory_space<vmem>>
      %dma_wait3A_338 = arith.constant 0 : i32
      %dma_wait3A_339 = arith.constant 0 : i32
      %dma_wait3A_340 = tpu.memref_slice %arg19[%dma_wait3A_338, %dma_wait3A_339] : memref<10112x64xbf16, #tpu.memory_space<vmem_shared>> -> memref<10112x64xbf16, #tpu.memory_space<vmem_shared>>
      tpu.wait_indirect_dma semaphore(%arg30 : memref<!tpu.dma_semaphore, #tpu.memory_space<semaphore_mem>>) src(%arg10 : memref<128x64xbf16, #tpu.memory_space<vmem>>) dst(%dma_wait3A_340 : memref<10112x64xbf16, #tpu.memory_space<vmem_shared>>)
      %lt3A_341 = arith.constant 19 : i32
      %lt3A_342 = arith.cmpi slt, %scan3A_114, %lt3A_341 : i32
      %convert_element_type3A_343 = arith.extui %lt3A_342 : i1 to i32
      %cond3A_344 = arith.constant 0 : i32
      %cond3A_345 = arith.cmpi ne, %convert_element_type3A_343, %cond3A_344 : i32
      scf.if %cond3A_345 {
        %add3A_425 = arith.constant 8 : i32
        %add3A_426 = arith.addi %mul3A_117, %add3A_425 : i32
        %add3A_427 = arith.constant 1 : i32
        %add3A_428 = arith.addi %add3A_426, %add3A_427 : i32
        %dma_start3A_429 = arith.constant 0 : i32
        %dma_start3A_430 = tpu.memref_slice %arg8[%add3A_428, %dma_start3A_429] : memref<160x128xi32, #tpu.memory_space<vmem>> -> memref<1x128xi32, #tpu.memory_space<vmem>>
        %dma_start3A_431 = tpu.memref_squeeze %dma_start3A_430 : memref<1x128xi32, #tpu.memory_space<vmem>> -> memref<128xi32, #tpu.memory_space<vmem>>
        %dma_start3A_432 = arith.constant 0 : i32
        %dma_start3A_433 = arith.constant 0 : i32
        %dma_start3A_434 = tpu.memref_slice %arg4[%dma_start3A_432, %dma_start3A_433] : memref<20000x64xbf16, #tpu.memory_space<hbm>> -> memref<20000x64xbf16, #tpu.memory_space<hbm>>
        tpu.enqueue_indirect_dma source(%dma_start3A_434 : memref<20000x64xbf16, #tpu.memory_space<hbm>>) target(%arg10 : memref<128x64xbf16, #tpu.memory_space<vmem>>) offsets(%dma_start3A_431 : memref<128xi32, #tpu.memory_space<vmem>>) semaphore(%arg22 : memref<!tpu.dma_semaphore, #tpu.memory_space<semaphore_mem>>)
      } else {
      }
      %add3A_346 = arith.constant 2 : i32
      %add3A_347 = arith.addi %mul3A_117, %add3A_346 : i32
      %dma_wait3A_348 = arith.constant 0 : i32
      %dma_wait3A_349 = tpu.memref_slice %arg7[%add3A_347, %dma_wait3A_348] : memref<160x128xi32, #tpu.memory_space<vmem>> -> memref<1x128xi32, #tpu.memory_space<vmem>>
      %dma_wait3A_350 = tpu.memref_squeeze %dma_wait3A_349 : memref<1x128xi32, #tpu.memory_space<vmem>> -> memref<128xi32, #tpu.memory_space<vmem>>
      %dma_wait3A_351 = arith.constant 0 : i32
      %dma_wait3A_352 = arith.constant 0 : i32
      %dma_wait3A_353 = tpu.memref_slice %arg19[%dma_wait3A_351, %dma_wait3A_352] : memref<10112x64xbf16, #tpu.memory_space<vmem_shared>> -> memref<10112x64xbf16, #tpu.memory_space<vmem_shared>>
      tpu.wait_indirect_dma semaphore(%arg31 : memref<!tpu.dma_semaphore, #tpu.memory_space<semaphore_mem>>) src(%arg11 : memref<128x64xbf16, #tpu.memory_space<vmem>>) dst(%dma_wait3A_353 : memref<10112x64xbf16, #tpu.memory_space<vmem_shared>>)
      %lt3A_354 = arith.constant 19 : i32
      %lt3A_355 = arith.cmpi slt, %scan3A_114, %lt3A_354 : i32
      %convert_element_type3A_356 = arith.extui %lt3A_355 : i1 to i32
      %cond3A_357 = arith.constant 0 : i32
      %cond3A_358 = arith.cmpi ne, %convert_element_type3A_356, %cond3A_357 : i32
      scf.if %cond3A_358 {
        %add3A_425 = arith.constant 8 : i32
        %add3A_426 = arith.addi %mul3A_117, %add3A_425 : i32
        %add3A_427 = arith.constant 2 : i32
        %add3A_428 = arith.addi %add3A_426, %add3A_427 : i32
        %dma_start3A_429 = arith.constant 0 : i32
        %dma_start3A_430 = tpu.memref_slice %arg8[%add3A_428, %dma_start3A_429] : memref<160x128xi32, #tpu.memory_space<vmem>> -> memref<1x128xi32, #tpu.memory_space<vmem>>
        %dma_start3A_431 = tpu.memref_squeeze %dma_start3A_430 : memref<1x128xi32, #tpu.memory_space<vmem>> -> memref<128xi32, #tpu.memory_space<vmem>>
        %dma_start3A_432 = arith.constant 0 : i32
        %dma_start3A_433 = arith.constant 0 : i32
        %dma_start3A_434 = tpu.memref_slice %arg4[%dma_start3A_432, %dma_start3A_433] : memref<20000x64xbf16, #tpu.memory_space<hbm>> -> memref<20000x64xbf16, #tpu.memory_space<hbm>>
        tpu.enqueue_indirect_dma source(%dma_start3A_434 : memref<20000x64xbf16, #tpu.memory_space<hbm>>) target(%arg11 : memref<128x64xbf16, #tpu.memory_space<vmem>>) offsets(%dma_start3A_431 : memref<128xi32, #tpu.memory_space<vmem>>) semaphore(%arg23 : memref<!tpu.dma_semaphore, #tpu.memory_space<semaphore_mem>>)
      } else {
      }
      %add3A_359 = arith.constant 3 : i32
      %add3A_360 = arith.addi %mul3A_117, %add3A_359 : i32
      %dma_wait3A_361 = arith.constant 0 : i32
      %dma_wait3A_362 = tpu.memref_slice %arg7[%add3A_360, %dma_wait3A_361] : memref<160x128xi32, #tpu.memory_space<vmem>> -> memref<1x128xi32, #tpu.memory_space<vmem>>
      %dma_wait3A_363 = tpu.memref_squeeze %dma_wait3A_362 : memref<1x128xi32, #tpu.memory_space<vmem>> -> memref<128xi32, #tpu.memory_space<vmem>>
      %dma_wait3A_364 = arith.constant 0 : i32
      %dma_wait3A_365 = arith.constant 0 : i32
      %dma_wait3A_366 = tpu.memref_slice %arg19[%dma_wait3A_364, %dma_wait3A_365] : memref<10112x64xbf16, #tpu.memory_space<vmem_shared>> -> memref<10112x64xbf16, #tpu.memory_space<vmem_shared>>
      tpu.wait_indirect_dma semaphore(%arg32 : memref<!tpu.dma_semaphore, #tpu.memory_space<semaphore_mem>>) src(%arg12 : memref<128x64xbf16, #tpu.memory_space<vmem>>) dst(%dma_wait3A_366 : memref<10112x64xbf16, #tpu.memory_space<vmem_shared>>)
      %lt3A_367 = arith.constant 19 : i32
      %lt3A_368 = arith.cmpi slt, %scan3A_114, %lt3A_367 : i32
      %convert_element_type3A_369 = arith.extui %lt3A_368 : i1 to i32
      %cond3A_370 = arith.constant 0 : i32
      %cond3A_371 = arith.cmpi ne, %convert_element_type3A_369, %cond3A_370 : i32
      scf.if %cond3A_371 {
        %add3A_425 = arith.constant 8 : i32
        %add3A_426 = arith.addi %mul3A_117, %add3A_425 : i32
        %add3A_427 = arith.constant 3 : i32
        %add3A_428 = arith.addi %add3A_426, %add3A_427 : i32
        %dma_start3A_429 = arith.constant 0 : i32
        %dma_start3A_430 = tpu.memref_slice %arg8[%add3A_428, %dma_start3A_429] : memref<160x128xi32, #tpu.memory_space<vmem>> -> memref<1x128xi32, #tpu.memory_space<vmem>>
        %dma_start3A_431 = tpu.memref_squeeze %dma_start3A_430 : memref<1x128xi32, #tpu.memory_space<vmem>> -> memref<128xi32, #tpu.memory_space<vmem>>
        %dma_start3A_432 = arith.constant 0 : i32
        %dma_start3A_433 = arith.constant 0 : i32
        %dma_start3A_434 = tpu.memref_slice %arg4[%dma_start3A_432, %dma_start3A_433] : memref<20000x64xbf16, #tpu.memory_space<hbm>> -> memref<20000x64xbf16, #tpu.memory_space<hbm>>
        tpu.enqueue_indirect_dma source(%dma_start3A_434 : memref<20000x64xbf16, #tpu.memory_space<hbm>>) target(%arg12 : memref<128x64xbf16, #tpu.memory_space<vmem>>) offsets(%dma_start3A_431 : memref<128xi32, #tpu.memory_space<vmem>>) semaphore(%arg24 : memref<!tpu.dma_semaphore, #tpu.memory_space<semaphore_mem>>)
      } else {
      }
      %add3A_372 = arith.constant 4 : i32
      %add3A_373 = arith.addi %mul3A_117, %add3A_372 : i32
      %dma_wait3A_374 = arith.constant 0 : i32
      %dma_wait3A_375 = tpu.memref_slice %arg7[%add3A_373, %dma_wait3A_374] : memref<160x128xi32, #tpu.memory_space<vmem>> -> memref<1x128xi32, #tpu.memory_space<vmem>>
      %dma_wait3A_376 = tpu.memref_squeeze %dma_wait3A_375 : memref<1x128xi32, #tpu.memory_space<vmem>> -> memref<128xi32, #tpu.memory_space<vmem>>
      %dma_wait3A_377 = arith.constant 0 : i32
      %dma_wait3A_378 = arith.constant 0 : i32
      %dma_wait3A_379 = tpu.memref_slice %arg19[%dma_wait3A_377, %dma_wait3A_378] : memref<10112x64xbf16, #tpu.memory_space<vmem_shared>> -> memref<10112x64xbf16, #tpu.memory_space<vmem_shared>>
      tpu.wait_indirect_dma semaphore(%arg33 : memref<!tpu.dma_semaphore, #tpu.memory_space<semaphore_mem>>) src(%arg13 : memref<128x64xbf16, #tpu.memory_space<vmem>>) dst(%dma_wait3A_379 : memref<10112x64xbf16, #tpu.memory_space<vmem_shared>>)
      %lt3A_380 = arith.constant 19 : i32
      %lt3A_381 = arith.cmpi slt, %scan3A_114, %lt3A_380 : i32
      %convert_element_type3A_382 = arith.extui %lt3A_381 : i1 to i32
      %cond3A_383 = arith.constant 0 : i32
      %cond3A_384 = arith.cmpi ne, %convert_element_type3A_382, %cond3A_383 : i32
      scf.if %cond3A_384 {
        %add3A_425 = arith.constant 8 : i32
        %add3A_426 = arith.addi %mul3A_117, %add3A_425 : i32
        %add3A_427 = arith.constant 4 : i32
        %add3A_428 = arith.addi %add3A_426, %add3A_427 : i32
        %dma_start3A_429 = arith.constant 0 : i32
        %dma_start3A_430 = tpu.memref_slice %arg8[%add3A_428, %dma_start3A_429] : memref<160x128xi32, #tpu.memory_space<vmem>> -> memref<1x128xi32, #tpu.memory_space<vmem>>
        %dma_start3A_431 = tpu.memref_squeeze %dma_start3A_430 : memref<1x128xi32, #tpu.memory_space<vmem>> -> memref<128xi32, #tpu.memory_space<vmem>>
        %dma_start3A_432 = arith.constant 0 : i32
        %dma_start3A_433 = arith.constant 0 : i32
        %dma_start3A_434 = tpu.memref_slice %arg4[%dma_start3A_432, %dma_start3A_433] : memref<20000x64xbf16, #tpu.memory_space<hbm>> -> memref<20000x64xbf16, #tpu.memory_space<hbm>>
        tpu.enqueue_indirect_dma source(%dma_start3A_434 : memref<20000x64xbf16, #tpu.memory_space<hbm>>) target(%arg13 : memref<128x64xbf16, #tpu.memory_space<vmem>>) offsets(%dma_start3A_431 : memref<128xi32, #tpu.memory_space<vmem>>) semaphore(%arg25 : memref<!tpu.dma_semaphore, #tpu.memory_space<semaphore_mem>>)
      } else {
      }
      %add3A_385 = arith.constant 5 : i32
      %add3A_386 = arith.addi %mul3A_117, %add3A_385 : i32
      %dma_wait3A_387 = arith.constant 0 : i32
      %dma_wait3A_388 = tpu.memref_slice %arg7[%add3A_386, %dma_wait3A_387] : memref<160x128xi32, #tpu.memory_space<vmem>> -> memref<1x128xi32, #tpu.memory_space<vmem>>
      %dma_wait3A_389 = tpu.memref_squeeze %dma_wait3A_388 : memref<1x128xi32, #tpu.memory_space<vmem>> -> memref<128xi32, #tpu.memory_space<vmem>>
      %dma_wait3A_390 = arith.constant 0 : i32
      %dma_wait3A_391 = arith.constant 0 : i32
      %dma_wait3A_392 = tpu.memref_slice %arg19[%dma_wait3A_390, %dma_wait3A_391] : memref<10112x64xbf16, #tpu.memory_space<vmem_shared>> -> memref<10112x64xbf16, #tpu.memory_space<vmem_shared>>
      tpu.wait_indirect_dma semaphore(%arg34 : memref<!tpu.dma_semaphore, #tpu.memory_space<semaphore_mem>>) src(%arg14 : memref<128x64xbf16, #tpu.memory_space<vmem>>) dst(%dma_wait3A_392 : memref<10112x64xbf16, #tpu.memory_space<vmem_shared>>)
      %lt3A_393 = arith.constant 19 : i32
      %lt3A_394 = arith.cmpi slt, %scan3A_114, %lt3A_393 : i32
      %convert_element_type3A_395 = arith.extui %lt3A_394 : i1 to i32
      %cond3A_396 = arith.constant 0 : i32
      %cond3A_397 = arith.cmpi ne, %convert_element_type3A_395, %cond3A_396 : i32
      scf.if %cond3A_397 {
        %add3A_425 = arith.constant 8 : i32
        %add3A_426 = arith.addi %mul3A_117, %add3A_425 : i32
        %add3A_427 = arith.constant 5 : i32
        %add3A_428 = arith.addi %add3A_426, %add3A_427 : i32
        %dma_start3A_429 = arith.constant 0 : i32
        %dma_start3A_430 = tpu.memref_slice %arg8[%add3A_428, %dma_start3A_429] : memref<160x128xi32, #tpu.memory_space<vmem>> -> memref<1x128xi32, #tpu.memory_space<vmem>>
        %dma_start3A_431 = tpu.memref_squeeze %dma_start3A_430 : memref<1x128xi32, #tpu.memory_space<vmem>> -> memref<128xi32, #tpu.memory_space<vmem>>
        %dma_start3A_432 = arith.constant 0 : i32
        %dma_start3A_433 = arith.constant 0 : i32
        %dma_start3A_434 = tpu.memref_slice %arg4[%dma_start3A_432, %dma_start3A_433] : memref<20000x64xbf16, #tpu.memory_space<hbm>> -> memref<20000x64xbf16, #tpu.memory_space<hbm>>
        tpu.enqueue_indirect_dma source(%dma_start3A_434 : memref<20000x64xbf16, #tpu.memory_space<hbm>>) target(%arg14 : memref<128x64xbf16, #tpu.memory_space<vmem>>) offsets(%dma_start3A_431 : memref<128xi32, #tpu.memory_space<vmem>>) semaphore(%arg26 : memref<!tpu.dma_semaphore, #tpu.memory_space<semaphore_mem>>)
      } else {
      }
      %add3A_398 = arith.constant 6 : i32
      %add3A_399 = arith.addi %mul3A_117, %add3A_398 : i32
      %dma_wait3A_400 = arith.constant 0 : i32
      %dma_wait3A_401 = tpu.memref_slice %arg7[%add3A_399, %dma_wait3A_400] : memref<160x128xi32, #tpu.memory_space<vmem>> -> memref<1x128xi32, #tpu.memory_space<vmem>>
      %dma_wait3A_402 = tpu.memref_squeeze %dma_wait3A_401 : memref<1x128xi32, #tpu.memory_space<vmem>> -> memref<128xi32, #tpu.memory_space<vmem>>
      %dma_wait3A_403 = arith.constant 0 : i32
      %dma_wait3A_404 = arith.constant 0 : i32
      %dma_wait3A_405 = tpu.memref_slice %arg19[%dma_wait3A_403, %dma_wait3A_404] : memref<10112x64xbf16, #tpu.memory_space<vmem_shared>> -> memref<10112x64xbf16, #tpu.memory_space<vmem_shared>>
      tpu.wait_indirect_dma semaphore(%arg35 : memref<!tpu.dma_semaphore, #tpu.memory_space<semaphore_mem>>) src(%arg15 : memref<128x64xbf16, #tpu.memory_space<vmem>>) dst(%dma_wait3A_405 : memref<10112x64xbf16, #tpu.memory_space<vmem_shared>>)
      %lt3A_406 = arith.constant 19 : i32
      %lt3A_407 = arith.cmpi slt, %scan3A_114, %lt3A_406 : i32
      %convert_element_type3A_408 = arith.extui %lt3A_407 : i1 to i32
      %cond3A_409 = arith.constant 0 : i32
      %cond3A_410 = arith.cmpi ne, %convert_element_type3A_408, %cond3A_409 : i32
      scf.if %cond3A_410 {
        %add3A_425 = arith.constant 8 : i32
        %add3A_426 = arith.addi %mul3A_117, %add3A_425 : i32
        %add3A_427 = arith.constant 6 : i32
        %add3A_428 = arith.addi %add3A_426, %add3A_427 : i32
        %dma_start3A_429 = arith.constant 0 : i32
        %dma_start3A_430 = tpu.memref_slice %arg8[%add3A_428, %dma_start3A_429] : memref<160x128xi32, #tpu.memory_space<vmem>> -> memref<1x128xi32, #tpu.memory_space<vmem>>
        %dma_start3A_431 = tpu.memref_squeeze %dma_start3A_430 : memref<1x128xi32, #tpu.memory_space<vmem>> -> memref<128xi32, #tpu.memory_space<vmem>>
        %dma_start3A_432 = arith.constant 0 : i32
        %dma_start3A_433 = arith.constant 0 : i32
        %dma_start3A_434 = tpu.memref_slice %arg4[%dma_start3A_432, %dma_start3A_433] : memref<20000x64xbf16, #tpu.memory_space<hbm>> -> memref<20000x64xbf16, #tpu.memory_space<hbm>>
        tpu.enqueue_indirect_dma source(%dma_start3A_434 : memref<20000x64xbf16, #tpu.memory_space<hbm>>) target(%arg15 : memref<128x64xbf16, #tpu.memory_space<vmem>>) offsets(%dma_start3A_431 : memref<128xi32, #tpu.memory_space<vmem>>) semaphore(%arg27 : memref<!tpu.dma_semaphore, #tpu.memory_space<semaphore_mem>>)
      } else {
      }
      %add3A_411 = arith.constant 7 : i32
      %add3A_412 = arith.addi %mul3A_117, %add3A_411 : i32
      %dma_wait3A_413 = arith.constant 0 : i32
      %dma_wait3A_414 = tpu.memref_slice %arg7[%add3A_412, %dma_wait3A_413] : memref<160x128xi32, #tpu.memory_space<vmem>> -> memref<1x128xi32, #tpu.memory_space<vmem>>
      %dma_wait3A_415 = tpu.memref_squeeze %dma_wait3A_414 : memref<1x128xi32, #tpu.memory_space<vmem>> -> memref<128xi32, #tpu.memory_space<vmem>>
      %dma_wait3A_416 = arith.constant 0 : i32
      %dma_wait3A_417 = arith.constant 0 : i32
      %dma_wait3A_418 = tpu.memref_slice %arg19[%dma_wait3A_416, %dma_wait3A_417] : memref<10112x64xbf16, #tpu.memory_space<vmem_shared>> -> memref<10112x64xbf16, #tpu.memory_space<vmem_shared>>
      tpu.wait_indirect_dma semaphore(%arg36 : memref<!tpu.dma_semaphore, #tpu.memory_space<semaphore_mem>>) src(%arg16 : memref<128x64xbf16, #tpu.memory_space<vmem>>) dst(%dma_wait3A_418 : memref<10112x64xbf16, #tpu.memory_space<vmem_shared>>)
      %lt3A_419 = arith.constant 19 : i32
      %lt3A_420 = arith.cmpi slt, %scan3A_114, %lt3A_419 : i32
      %convert_element_type3A_421 = arith.extui %lt3A_420 : i1 to i32
      %cond3A_422 = arith.constant 0 : i32
      %cond3A_423 = arith.cmpi ne, %convert_element_type3A_421, %cond3A_422 : i32
      scf.if %cond3A_423 {
        %add3A_425 = arith.constant 8 : i32
        %add3A_426 = arith.addi %mul3A_117, %add3A_425 : i32
        %add3A_427 = arith.constant 7 : i32
        %add3A_428 = arith.addi %add3A_426, %add3A_427 : i32
        %dma_start3A_429 = arith.constant 0 : i32
        %dma_start3A_430 = tpu.memref_slice %arg8[%add3A_428, %dma_start3A_429] : memref<160x128xi32, #tpu.memory_space<vmem>> -> memref<1x128xi32, #tpu.memory_space<vmem>>
        %dma_start3A_431 = tpu.memref_squeeze %dma_start3A_430 : memref<1x128xi32, #tpu.memory_space<vmem>> -> memref<128xi32, #tpu.memory_space<vmem>>
        %dma_start3A_432 = arith.constant 0 : i32
        %dma_start3A_433 = arith.constant 0 : i32
        %dma_start3A_434 = tpu.memref_slice %arg4[%dma_start3A_432, %dma_start3A_433] : memref<20000x64xbf16, #tpu.memory_space<hbm>> -> memref<20000x64xbf16, #tpu.memory_space<hbm>>
        tpu.enqueue_indirect_dma source(%dma_start3A_434 : memref<20000x64xbf16, #tpu.memory_space<hbm>>) target(%arg16 : memref<128x64xbf16, #tpu.memory_space<vmem>>) offsets(%dma_start3A_431 : memref<128xi32, #tpu.memory_space<vmem>>) semaphore(%arg28 : memref<!tpu.dma_semaphore, #tpu.memory_space<semaphore_mem>>)
      } else {
      }
      %scan3A_424 = arith.constant 0 : i32
      scf.yield %scan3A_424 : i32
    }
    %scan3A_105 = arith.constant 20 : i32
    %scan3A_106 = arith.constant 0 : i32
    %scan3A_107 = arith.constant 0 : i32
    %scan3A_108 = arith.constant 80 : i32
    %scan3A_109 = arith.addi %scan3A_107, %scan3A_108 : i32
    %scan3A_110 = arith.constant 1 : i32
    %scan3A_111 = scf.for %scan3A_114 = %scan3A_107 to %scan3A_109 step %scan3A_110 iter_args(%scan3A_115 = %scan3A_106) -> (i32)  : i32 {
      %dma_wait3A = arith.constant 0 : i32
      %dma_wait3A_116 = arith.constant 0 : i32
      %dma_wait3A_117 = tpu.memref_slice %arg7[%dma_wait3A, %dma_wait3A_116] : memref<160x128xi32, #tpu.memory_space<vmem>> -> memref<1x128xi32, #tpu.memory_space<vmem>>
      %dma_wait3A_118 = tpu.memref_squeeze %dma_wait3A_117 : memref<1x128xi32, #tpu.memory_space<vmem>> -> memref<128xi32, #tpu.memory_space<vmem>>
      %dma_wait3A_119 = arith.constant 0 : i32
      %dma_wait3A_120 = arith.constant 0 : i32
      %dma_wait3A_121 = tpu.memref_slice %arg20[%dma_wait3A_119, %dma_wait3A_120] : memref<10112x16xf32, #tpu.memory_space<vmem_shared>> -> memref<10112x16xf32, #tpu.memory_space<vmem_shared>>
      tpu.wait_indirect_dma semaphore(%arg37 : memref<!tpu.dma_semaphore, #tpu.memory_space<semaphore_mem>>) src(%arg18 : memref<128x16xf32, #tpu.memory_space<vmem>>) dst(%dma_wait3A_121 : memref<10112x16xf32, #tpu.memory_space<vmem_shared>>)
      %scan3A_122 = arith.constant 0 : i32
      scf.yield %scan3A_122 : i32
    }
    %scan3A_112 = arith.constant 80 : i32
    %barrier3A_113 = arith.constant 0 : index
    tpu.barrier barrier_id(%barrier3A_113)
    "tpu.region"() ({
      %run_scoped3A = tpu.sem_alloc : memref<!tpu.dma_semaphore, #tpu.memory_space<semaphore_mem>>
      %dma_start3A_114 = arith.constant 0 : i32
      %dma_start3A_115 = tpu.memref_slice %arg5[%arg0, %mul3A_0, %dma_start3A_114] : memref<2x10112x64xbf16, #tpu.memory_space<hbm>> -> memref<1x632x64xbf16, #tpu.memory_space<hbm>>
      %dma_start3A_116 = tpu.memref_squeeze %dma_start3A_115 : memref<1x632x64xbf16, #tpu.memory_space<hbm>> -> memref<632x64xbf16, #tpu.memory_space<hbm>>
      %dma_start3A_117 = arith.constant 0 : i32
      %dma_start3A_118 = tpu.memref_slice %arg19[%mul3A_0, %dma_start3A_117] : memref<10112x64xbf16, #tpu.memory_space<vmem_shared>> -> memref<632x64xbf16, #tpu.memory_space<vmem_shared>>
      tpu.enqueue_dma source(%dma_start3A_118 : memref<632x64xbf16, #tpu.memory_space<vmem_shared>>) target(%dma_start3A_116 : memref<632x64xbf16, #tpu.memory_space<hbm>>) target_semaphore(%run_scoped3A : memref<!tpu.dma_semaphore, #tpu.memory_space<semaphore_mem>>)
      %dma_wait3A = arith.constant 0 : i32
      %dma_wait3A_119 = tpu.memref_slice %arg5[%arg0, %mul3A_0, %dma_wait3A] : memref<2x10112x64xbf16, #tpu.memory_space<hbm>> -> memref<1x632x64xbf16, #tpu.memory_space<hbm>>
      %dma_wait3A_120 = tpu.memref_squeeze %dma_wait3A_119 : memref<1x632x64xbf16, #tpu.memory_space<hbm>> -> memref<632x64xbf16, #tpu.memory_space<hbm>>
      %dma_wait3A_121 = arith.constant 0 : i32
      %dma_wait3A_122 = tpu.memref_slice %arg19[%mul3A_0, %dma_wait3A_121] : memref<10112x64xbf16, #tpu.memory_space<vmem_shared>> -> memref<632x64xbf16, #tpu.memory_space<vmem_shared>>
      tpu.wait_dma2 semaphore(%run_scoped3A : memref<!tpu.dma_semaphore, #tpu.memory_space<semaphore_mem>>) src(%dma_wait3A_122 : memref<632x64xbf16, #tpu.memory_space<vmem_shared>>) dst(%dma_wait3A_120 : memref<632x64xbf16, #tpu.memory_space<hbm>>)
      tpu.yield
    }) : () -> ()
    "tpu.region"() ({
      %run_scoped3A = tpu.sem_alloc : memref<!tpu.dma_semaphore, #tpu.memory_space<semaphore_mem>>
      %dma_start3A_114 = arith.constant 0 : i32
      %dma_start3A_115 = tpu.memref_slice %arg6[%arg0, %mul3A_0, %dma_start3A_114] : memref<2x10112x16xf32, #tpu.memory_space<hbm>> -> memref<1x632x16xf32, #tpu.memory_space<hbm>>
      %dma_start3A_116 = tpu.memref_squeeze %dma_start3A_115 : memref<1x632x16xf32, #tpu.memory_space<hbm>> -> memref<632x16xf32, #tpu.memory_space<hbm>>
      %dma_start3A_117 = arith.constant 0 : i32
      %dma_start3A_118 = tpu.memref_slice %arg20[%mul3A_0, %dma_start3A_117] : memref<10112x16xf32, #tpu.memory_space<vmem_shared>> -> memref<632x16xf32, #tpu.memory_space<vmem_shared>>
      tpu.enqueue_dma source(%dma_start3A_118 : memref<632x16xf32, #tpu.memory_space<vmem_shared>>) target(%dma_start3A_116 : memref<632x16xf32, #tpu.memory_space<hbm>>) target_semaphore(%run_scoped3A : memref<!tpu.dma_semaphore, #tpu.memory_space<semaphore_mem>>)
      %dma_wait3A = arith.constant 0 : i32
      %dma_wait3A_119 = tpu.memref_slice %arg6[%arg0, %mul3A_0, %dma_wait3A] : memref<2x10112x16xf32, #tpu.memory_space<hbm>> -> memref<1x632x16xf32, #tpu.memory_space<hbm>>
      %dma_wait3A_120 = tpu.memref_squeeze %dma_wait3A_119 : memref<1x632x16xf32, #tpu.memory_space<hbm>> -> memref<632x16xf32, #tpu.memory_space<hbm>>
      %dma_wait3A_121 = arith.constant 0 : i32
      %dma_wait3A_122 = tpu.memref_slice %arg20[%mul3A_0, %dma_wait3A_121] : memref<10112x16xf32, #tpu.memory_space<vmem_shared>> -> memref<632x16xf32, #tpu.memory_space<vmem_shared>>
      tpu.wait_dma2 semaphore(%run_scoped3A : memref<!tpu.dma_semaphore, #tpu.memory_space<semaphore_mem>>) src(%dma_wait3A_122 : memref<632x16xf32, #tpu.memory_space<vmem_shared>>) dst(%dma_wait3A_120 : memref<632x16xf32, #tpu.memory_space<hbm>>)
      tpu.yield
    }) : () -> ()
    return
  }
}

module attributes {stable_mosaic.version = 14 : i64} {
  func.func @_norm_body(%arg0: i32, %arg1: memref<2x400x64xbf16, #tpu.memory_space<vmem>>, %arg2: memref<2x400x16xf32, #tpu.memory_space<vmem>>, %arg3: memref<400x128xf32, #tpu.memory_space<vmem>>) attributes {dimension_semantics = [#tpu.dimension_semantics<arbitrary>], iteration_bounds = array<i64: 25>, scalar_prefetch = 0 : i64, scratch_operands = 0 : i64, tpu.core_type = #tpu.core_type<tc>, window_params = [{transform_indices = @transform_0, window_bounds = array<i64: 2, 400, 64>}, {transform_indices = @transform_1, window_bounds = array<i64: 2, 400, 16>}, {transform_indices = @transform_2, window_bounds = array<i64: 400, 128>}]} {
    %get3A = arith.constant 0 : index
    %get3A_0 = arith.constant 0 : index
    %get3A_1 = arith.constant 0 : index
    %get3A_2 = vector.load %arg1[%get3A, %get3A_0, %get3A_1] : memref<2x400x64xbf16, #tpu.memory_space<vmem>>, vector<2x400x64xbf16>
    %convert_element_type3A = arith.extf %get3A_2 : vector<2x400x64xbf16> to vector<2x400x64xf32>
    %get3A_3 = arith.constant 0 : index
    %get3A_4 = arith.constant 0 : index
    %get3A_5 = arith.constant 0 : index
    %get3A_6 = vector.load %arg2[%get3A_3, %get3A_4, %get3A_5] : memref<2x400x16xf32, #tpu.memory_space<vmem>>, vector<1x400x16xf32>
    %get3A_7 = vector.shape_cast %get3A_6 : vector<1x400x16xf32> to vector<400x16xf32>
    %get3A_8 = arith.constant 1 : index
    %get3A_9 = arith.constant 0 : index
    %get3A_10 = arith.constant 0 : index
    %get3A_11 = vector.load %arg2[%get3A_8, %get3A_9, %get3A_10] : memref<2x400x16xf32, #tpu.memory_space<vmem>>, vector<1x400x16xf32>
    %get3A_12 = vector.shape_cast %get3A_11 : vector<1x400x16xf32> to vector<400x16xf32>
    %add3A = arith.addf %get3A_7, %get3A_12 : vector<400x16xf32>
    %slice3A = vector.extract_strided_slice %add3A {offsets = [0, 0], sizes = [400, 1], strides = [1, 1]} : vector<400x16xf32> to vector<400x1xf32>
    %add3A_13 = arith.constant 1.000000e-10 : f32
    %add3A_14 = vector.broadcast %add3A_13 : f32 to vector<400x1xf32>
    %add3A_15 = arith.addf %slice3A, %add3A_14 : vector<400x1xf32>
    %div3A = arith.constant 1.000000e+00 : f32
    %div3A_16 = vector.broadcast %div3A : f32 to vector<400x1xf32>
    %div3A_17 = arith.divf %div3A_16, %add3A_15 : vector<400x1xf32>
    %eq3A = arith.constant 1.000000e+10 : f32
    %eq3A_18 = vector.broadcast %eq3A : f32 to vector<400x1xf32>
    %eq3A_19 = arith.cmpf oeq, %div3A_17, %eq3A_18 : vector<400x1xf32>
    %jit3A = arith.constant 0.000000e+00 : f32
    %broadcast_in_dim3A = vector.broadcast %jit3A : f32 to vector<400x1xf32>
    %select_n3A = arith.select %eq3A_19, %broadcast_in_dim3A, %div3A_17 : vector<400x1xi1>, vector<400x1xf32>
    %slice3A_20 = vector.extract_strided_slice %convert_element_type3A {offsets = [0, 0, 0], sizes = [1, 400, 64], strides = [1, 1, 1]} : vector<2x400x64xf32> to vector<1x400x64xf32>
    %squeeze3A = vector.shape_cast %slice3A_20 : vector<1x400x64xf32> to vector<400x64xf32>
    %mul3A = vector.broadcast %select_n3A : vector<400x1xf32> to vector<400x64xf32>
    %mul3A_21 = arith.mulf %squeeze3A, %mul3A : vector<400x64xf32>
    %slice3A_22 = vector.extract_strided_slice %convert_element_type3A {offsets = [1, 0, 0], sizes = [1, 400, 64], strides = [1, 1, 1]} : vector<2x400x64xf32> to vector<1x400x64xf32>
    %squeeze3A_23 = vector.shape_cast %slice3A_22 : vector<1x400x64xf32> to vector<400x64xf32>
    %mul3A_24 = vector.broadcast %select_n3A : vector<400x1xf32> to vector<400x64xf32>
    %mul3A_25 = arith.mulf %squeeze3A_23, %mul3A_24 : vector<400x64xf32>
    %concatenate3A = tpu.concatenate %mul3A_21, %mul3A_25 in 1 : vector<400x64xf32>, vector<400x64xf32> -> vector<400x128xf32>
    %swap3A = arith.constant 0 : index
    %swap3A_26 = arith.constant 0 : index
    %swap3A_27 = vector.load %arg3[%swap3A, %swap3A_26] : memref<400x128xf32, #tpu.memory_space<vmem>>, vector<400x128xf32>
    tpu.vector_store %arg3[%swap3A, %swap3A_26], %concatenate3A {strides = array<i32>} : memref<400x128xf32, #tpu.memory_space<vmem>>, vector<400x128xf32>,
    return
  }
  func.func @transform_0(%arg0: i32) -> (i32, i32, i32) {
    %c0_i32 = arith.constant 0 : i32
    %c0_i32_0 = arith.constant 0 : i32
    %c0_i32_1 = arith.constant 0 : i32
    return %c0_i32, %arg0, %c0_i32_0 : i32, i32, i32
  }
  func.func @transform_1(%arg0: i32) -> (i32, i32, i32) {
    %c0_i32 = arith.constant 0 : i32
    %c0_i32_0 = arith.constant 0 : i32
    %c0_i32_1 = arith.constant 0 : i32
    return %c0_i32, %arg0, %c0_i32_0 : i32, i32, i32
  }
  func.func @transform_2(%arg0: i32) -> (i32, i32) {
    %c0_i32 = arith.constant 0 : i32
    %c0_i32_0 = arith.constant 0 : i32
    return %arg0, %c0_i32 : i32, i32
  }
}

</mosaic_0001>

<sc_bundles>
// kernel: kernel.4.cloned.1.call-start
scs
__scs_entry_jumppad:
0x0: {  	(pc) =	sbr.rel $0x88, $3  }
0x1: {  	(tag) =	ssettag $0x0;
	lr =	simm.s32 $0x1  }
0x2: {  	[smem:$0x3F9F] =	sst lr;
	_ =	strace $0xD0000000  }
0x3: {  	_ = 	snop  }
0x4: {  	_ = 	snop  }
0x5: {  	_ = 	snop  }
0x6: {  	_ = 	snop  }
0x7: {  	_ = 	snop  }
__scs_overlays_trampoline_lowered:
0x8: {  	[smem:$0x3FAE] =	sst s0  }
0x9: {  	[smem:$0x3FAF] =	sst s1  }
0xa: {  	[smem:$0x3FB0] =	sst s2  }
0xb: {  	[smem:$0x3FB1] =	sst s3  }
0xc: {  	[smem:$0x3FB2] =	sst s4  }
0xd: {  	[smem:$0x3FB3] =	sst s5  }
0xe: {  	[smem:$0x3FB4] =	sst s6  }
0xf: {  	[smem:$0x3FB5] =	sst s7  }
0x10: {  	[smem:$0x3FB6] =	sst s8  }
0x11: {  	[smem:$0x3FB7] =	sst s9;
	s0 =	simm.s32 @!p0 $0x0  }
0x12: {  	s1 =	sld [smem:$0x3F9D];
	s0 =	simm.s32 @p0 $0x1  }
0x13: {  	[smem:$0x3FB8] =	sst s0;
	s0 =	simm.s32 @!p1 $0x0  }
0x14: {  	s2 =	sld [smem:$0x3F9C];
	s0 =	simm.s32 @p1 $0x1  }
0x15: {  	[smem:$0x3FB9] =	sst s0;
	s0 =	simm.s32 @!p2 $0x0  }
0x16: {  	s3 =	sld [smem:$0x3FDB];
	s0 =	simm.s32 @p2 $0x1  }
0x17: {  	s4 =	simm.s32 $0x1BF5;
	[smem:$0x3FBB] =	sst s0  }
0x18: {  	s0 =	sld [smem:$0x3F9E];
	_ =	swait.ge [sflag:s4], $0x0  }
0x19: {  	s7 =	sld [smem:$0x3F9F]  }
0x1a: {  	s8 =	sadd.s32 $0xFFFFE003, lr  }
0x1b: {  	s9 =	sadd.s32 $0xFFFFFEF7, lr;
	s5 =	simm.s32 $0xFFFFFFFF;
	p2 =	slt.u32 s8, $0xFFFFF086  }
0x1c: {  	p1 =	slt.u32 s9, $0xF7A;
	s5 =	simm.s32 @!p2 $0x0  }
0x1d: {  	s5 =	simm.s32 @p1 $0x1;
	p0 =	seq.s32 s7, s2  }
0x1e: {  	s7 =	smul.u32 @!p0 $0xF7A, s2;
	p2 =	seq.s32 @!p0 s5, $0x0  }
0x1f: {  	s9 =	smul.u32 $0xF7A, s1;
	s8 =	simm.s32 @!p0 $0x1BF5;
	p2 =	por !p2, p0  }
0x20: {  	[sflag:s8] =	ssyncset.s32 @!p0 $0xFFFFF086;
	s6 =	sadd.s32 @!p0 s3, s7;
	s7 =	simm.s32 @!p0 $0x108  }
0x21: {  	s3 =	sadd.s32 s3, s9;
	s6 =	sadd.s32 @!p0 $0x88, s6;
	s7 =	simm.s32 @p2 $0x1082  }
0x22: {  	[simem:s7], [sflag:s8] =	dma.local @!p0 [hbm:s6], $0xF7A  }
0x23: {  	s9 =	sor.u32 $0xD0000000, s2;
	s6 =	simm.s32 $0x108;
	_ =	swait.ge @!p0 [sflag:s8], $0x0  }
0x24: {  	s3 =	sadd.s32 $0x88, s3;
	s6 =	simm.s32 @!p1 $0x1082;
	[sflag:s4] =	ssyncset.s32 $0xFFFFF086  }
0x25: {  	[simem:s6], [sflag:s4] =	dma.local [hbm:s3], $0xF7A  }
0x26: {  	[smem:$0x3F9F] =	sst s1;
	(tag) =	ssettag s2;
	_ =	strace s9  }
0x27: {  	s1 =	sld [smem:$0x3FAF]  }
0x28: {  	s2 =	sld [smem:$0x3FB0]  }
0x29: {  	s4 =	sld [smem:$0x3FB2]  }
0x2a: {  	p0 =	seq.s32 s5, $0x0;
	s5 =	sld [smem:$0x3FB3]  }
0x2b: {  	s6 =	sld [smem:$0x3FB4]  }
0x2c: {  	s7 =	sld [smem:$0x3FB5]  }
0x2d: {  	s3 =	simm.s32 $0x108;
	s8 =	sld [smem:$0x3FB6]  }
0x2e: {  	s3 =	simm.s32 @!p0 $0x1082;
	s9 =	sld [smem:$0x3FB7]  }
0x2f: {  	lr =	sadd.s32 s0, s3;
	s0 =	sld [smem:$0x3FAE]  }
0x30: {  	s3 =	sld [smem:$0x3FB1]  }
0x31: {  	[smem:$0x3FBA] =	sst s10  }
0x32: {  	s10 =	sld [smem:$0x3FB8];
	_ =	sdelay $0x3  }
0x33: {  	p0 =	seq.s32 s10, $0x1;
	s10 =	sld [smem:$0x3FBA];
	_ =	sdelay $0x3  }
0x34: {  	[smem:$0x3FBA] =	sst s10  }
0x35: {  	s10 =	sld [smem:$0x3FB9];
	_ =	sdelay $0x3  }
0x36: {  	p1 =	seq.s32 s10, $0x1;
	s10 =	sld [smem:$0x3FBA];
	_ =	sdelay $0x3  }
0x37: {  	[smem:$0x3FBA] =	sst s10  }
0x38: {  	s10 =	sld [smem:$0x3FBB]  }
0x39: {  	_ = 	snop;
	(pc) =	sbr.ind lr, $3  }
0x3a: {  	_ = 	snop  }
0x3b: {  	_ = 	snop  }
0x3c: {  	p2 =	seq.s32 s10, $0x1;
	s10 =	sld [smem:$0x3FBA]  }
0x3d: {  	_ =	shalt  }
0x3e: {  	_ =	shalt  }
0x3f: {  	_ =	shalt  }
0x40: {  	_ =	shalt  }
0x41: {  	_ =	shalt  }
0x42: {  	_ =	shalt  }
0x43: {  	_ =	shalt  }
0x44: {  	_ =	shalt  }
0x45: {  	_ =	shalt  }
0x46: {  	_ =	shalt  }
0x47: {  	_ =	shalt  }
0x48: {  	_ =	shalt  }
0x49: {  	_ =	shalt  }
0x4a: {  	_ =	shalt  }
0x4b: {  	_ =	shalt  }
0x4c: {  	_ =	shalt  }
0x4d: {  	_ =	shalt  }
0x4e: {  	_ =	shalt  }
0x4f: {  	_ =	shalt  }
0x50: {  	_ =	shalt  }
0x51: {  	_ =	shalt  }
0x52: {  	_ =	shalt  }
0x53: {  	_ =	shalt  }
0x54: {  	_ =	shalt  }
0x55: {  	_ =	shalt  }
0x56: {  	_ =	shalt  }
0x57: {  	_ =	shalt  }
0x58: {  	_ =	shalt  }
0x59: {  	_ =	shalt  }
0x5a: {  	_ =	shalt  }
0x5b: {  	_ =	shalt  }
0x5c: {  	_ =	shalt  }
0x5d: {  	_ =	shalt  }
0x5e: {  	_ =	shalt  }
0x5f: {  	_ =	shalt  }
0x60: {  	_ =	shalt  }
0x61: {  	_ =	shalt  }
0x62: {  	_ =	shalt  }
0x63: {  	_ =	shalt  }
0x64: {  	_ =	shalt  }
0x65: {  	_ =	shalt  }
0x66: {  	_ =	shalt  }
0x67: {  	_ =	shalt  }
0x68: {  	_ =	shalt  }
0x69: {  	_ =	shalt  }
0x6a: {  	_ =	shalt  }
0x6b: {  	_ =	shalt  }
0x6c: {  	_ =	shalt  }
0x6d: {  	_ =	shalt  }
0x6e: {  	_ =	shalt  }
0x6f: {  	_ =	shalt  }
0x70: {  	_ =	shalt  }
0x71: {  	_ =	shalt  }
0x72: {  	_ =	shalt  }
0x73: {  	_ =	shalt  }
0x74: {  	_ =	shalt  }
0x75: {  	_ =	shalt  }
0x76: {  	_ =	shalt  }
0x77: {  	_ =	shalt  }
0x78: {  	_ =	shalt  }
0x79: {  	_ =	shalt  }
0x7a: {  	_ =	shalt  }
0x7b: {  	_ =	shalt  }
0x7c: {  	_ =	shalt  }
0x7d: {  	_ =	shalt  }
0x7e: {  	_ =	shalt  }
0x7f: {  	_ =	shalt  }
0x80: {  	_ =	shalt  }
0x81: {  	_ =	shalt  }
0x82: {  	_ =	shalt  }
0x83: {  	_ =	shalt  }
0x84: {  	_ =	shalt  }
0x85: {  	_ =	shalt  }
0x86: {  	_ =	shalt  }
0x87: {  	_ =	shalt  }
.Lfunc_end0:
.L_simem_size_0:
called_computation_lowered:
.L_overlay_start_0:
0x88: {  	s2 =	sld [smem:$0x3FD9]  }
0x89: {  	s3 =	sld [smem:$0x3FFE];
	_ =	sdelay $0x1  }
0x8a: {  	s1 =	srdreg.scid  }
0x8b: {  	s0 =	sand.u32 $0x1, s1  }
0x8c: {  	s17 =	sshll.u32 s0, $0xA;
	s2 =	sadd.s32 s3, s2  }
0x8d: {  	s2 =	sadd.s32 s2, s17  }
0x8e: {  	[smem:$0x3FC6] =	sst s2  }
0x8f: {  	_ = 	snop  }
0x90: {  	s2 =	sld [smem:$0x3FD0];
	(tm) =	ssettm $0x1  }
0x91: {  	s18 =	sld [smem:$0x3FFB];
	_ =	sdelay $0x3  }
0x92: {  	_ =	strace s18  }
0x93: {  	s3 =	sld [smem:$0x3FFC];
	_ =	sdelay $0x3  }
0x94: {  	_ =	strace s3  }
0x95: {  	s3 =	sld [smem:$0x3FFD];
	_ =	sdelay $0x3  }
0x96: {  	_ =	strace s3  }
0x97: {  	_ =	strace $0x8FFFFFFF  }
0x98: {  	s19 =	sld [smem:$0x3FDB];
	_ =	sdelay $0x1  }
0x99: {  	s4 =	simm.s32 $_scs_section_size  }
0x9a: {  	s5 =	simm.s32 $_size__tile_overlayer_lowered;
	s6 =	simm.s32 $_tile_overlayer_lowered  }
0x9b: {  	s22 =	simm.s32 $0x1BFF;
	s21 =	sshll.u32 s6, $0x1;
	s3 =	sadd.s32 s4, s19  }
0x9c: {  	s7 =	simm.s32 $0x0;
	s20 =	sshll.u32 s5, $0x1;
	s5 =	sadd.s32 s21, s3  }
0x9d: {  	[timem:s7], [sflag:s22] =	dma.local [hbm:s5], s20  }
0x9e: {  	_ =	swait.ge [sflag:s22], s20  }
0x9f: {  	s4 =	ssub.s32 $0x0, s20;
	[sflag:s22] =	ssyncset.done $0x0  }
0xa0: {  	[sflag:s22] =	ssyncadd.s32 s4;
	_ =	sdelay $0x1  }
0xa1: {  	s23 =	simm.s32 $0x1B8B  }
0xa2: {  	_ =	swait.ge [sflag:s23], $0x1  }
0xa3: {  	[sflag:s23] =	ssyncset.done $0x0  }
0xa4: {  	s25 =	simm.s32 $0x1B8E;
	s24 =	sld [smem:$0x3FFE];
	[sflag:s23] =	ssyncadd.s32 $0xFFFFFFFF  }
0xa5: {  	s26 =	simm.s32 $execute0_lowered;
	[smem:$0x3FD2] =	sst s25  }
0xa6: {  	s5 =	sshll.u32 s26, $0x1;
	_ =	strace $0x80000046;
	[dreg:$0x1] =	wrdreg $0xFFFFFFFF  }
0xa7: {  	s28 =	simm.s32 $_size_execute0_lowered;
	s3 =	sadd.s32 s3, s5;
	[dreg:$0x0] =	wrdreg $0x0  }
0xa8: {  	s5 =	sshll.u32 s28, $0x1;
	[dreg:$0x2] =	wrdreg s3  }
0xa9: {  	[dreg:$0x3] =	wrdreg s5  }
0xaa: {  	[dreg:$0x4] =	wrdreg $0xC0  }
0xab: {  	_ =	task [dreg:s7], $0x5FFFF  }
0xac: {  	[dreg:$0x1] =	wrdreg $0xFFFFFFFF  }
0xad: {  	[dreg:$0x0] =	wrdreg $0x60  }
0xae: {  	[dreg:$0x2] =	wrdreg s24  }
0xaf: {  	[dreg:$0x3] =	wrdreg s2  }
0xb0: {  	[dreg:$0x4] =	wrdreg $0x130000  }
0xb1: {  	[dreg:$0x5] =	wrdreg $0x17F000  }
0xb2: {  	[dreg:$0x6] =	wrdreg $0x9  }
0xb3: {  	_ =	task.clear_ibuf [dreg:s7], $0x7FFFF;
	_ =	strace $0x90000046  }
0xb4: {  	s29 =	simm.s32 $0x9;
	_ =	strace $0x80000048  }
0xb5: {  	_ =	swait.ge [sflag:s29], $0x1  }
0xb6: {  	[sflag:s29] =	ssyncadd.s32 $0xFFFFFFFF  }
0xb7: {  	_ =	strace $0x90000048  }
0xb8: {  	_ =	sfence  }
0xb9: {  	s30 =	sld [smem:$0x0];
	_ =	sdelay $0x2  }
0xba: {  	s31 =	sshll.u32 s1, $0xD;
	s1 =	sshrl.u32 s1, $0x2  }
0xbb: {  	s3 =	sand.u32 $0x4000, s31;
	s1 =	sadd.s32 s1, s30  }
0xbc: {  	s0 =	sor.u32 s3, s0;
	s1 =	sshll.u32 s1, $0x11  }
0xbd: {  	s0 =	sor.u32 s1, s0  }
0xbe: {  	s0 =	sadd.s32 $0x8F2B, s0  }
0xbf: {  	[sflag:s0] =	ssyncadd.remote.s32 $0x1  }
0xc0: {  	_ =	sfence.sel $0xFFFF  }
0xc1: {  	[dreg:$0x0] =	wrdreg $0xFFFFFFFF;
	(pc) =	sbr.abs _section_cstart, $3  }
0xc2: {  	[dreg:$0x1] =	wrdreg $0xFFFFFFFF  }
0xc3: {  	_ =	task.clear_ibuf [dreg:s7], $0x2FFFF;
	_ =	strace $0x9FFFFFFF  }
0xc4: {  	(tm) =	ssettm $0x7FFFFFFF  }
0xc5: {  	_ =	shalt  }
tec
execute0_lowered:
.L_overlay_start_1:
0x0: {  	(tag) =	ssettag $0x1  }
0x1: {  	s0 =	rddreg [dreg:$0x0]  }
0x2: {  	s2 =	rddreg [dreg:$0x1];
	s14 =	stileid.u32  }
0x3: {  	s1 =	rddreg [dreg:$0x2];
	s4 =	smul.u32 $0x5000, s14  }
0x4: {  	s5 =	srdreg.scid;
	s7 =	smul.u32 $0x9E00, s14  }
0x5: {  	s3 =	rddreg [dreg:$0x3];
	s24 =	simm.s32 $0x0;
	s9 =	smul.u32 $0x2780, s14  }
0x6: {  	s28 =	simm.s32 $0xA000;
	s6 =	sand.u32 $0x1, s5;
	s31 =	smul.u32 $0x278, s14  }
0x7: {  	s30 =	simm.s32 $0xC000;
	s29 =	simm.s32 $0xE000;
	s8 =	smul.u32 $0x9E000, s6  }
0x8: {  	[smem:$0x7FF] =	sst s24;
	s5 =	sadd.s32 $0xA00, s0;
	s10 =	smul.u32 $0x27800, s6  }
0x9: {  	_ =	strace $0x80000047;
	s12 =	smul.u32 $0x50000, s6;
	s13 =	ssub.s32 $0x2, s6  }
0xa: {  	p0 =	seq.s32 s6, $0x1;
	s6 =	simm.s32 $0x3;
	s25 =	sshrl.u32 s4, $0x3  }
0xb: {  	s26 =	sshrl.u32 s13, $0x1;
	s20 =	sadd.s32 s9, s3;
	s14 =	sadd.s32 $0x100, s31  }
0xc: {  	s17 =	sadd.s32 $0x180, s31;
	s21 =	sadd.s32 $0x200, s31;
	p1 =	por !p0, !p0  }
0xd: {  	s11 =	sadd.s32 s25, s0;
	s8 =	sadd.s32 s7, s8;
	s10 =	sadd.s32 s9, s10  }
0xe: {  	s4 =	sadd.s32 s4, s12;
	s7 =	sshrl.u32 s7, $0x1;
	s15 =	sshll.u32 s14, $0x5  }
0xf: {  	s16 =	sshll.u32 s14, $0x4;
	s18 =	sshll.u32 s17, $0x5;
	s22 =	sshll.u32 s17, $0x4  }
0x10: {  	s23 =	sshll.u32 s21, $0x5;
	s25 =	sshll.u32 s21, $0x4;
	s21 =	simm.s32 $0x12  }
0x11: {  	s12 =	simm.s32 $0xA;
	s14 =	simm.s32 $0xC;
	s17 =	simm.s32 $0xF  }
0x12: {  	[dreg:$0x8] =	wrdreg s20;
	s8 =	sshrl.u32 s8, $0x4;
	s10 =	sshrl.u32 s10, $0x3  }
0x13: {  	s4 =	sshrl.u32 s4, $0x3;
	s11 =	sadd.s32 $0x14400, s11;
	s19 =	sadd.s32 s7, s1  }
0x14: {  	s24 =	sadd.s32 s23, s1;
	s7 =	simm.s32 $0x5;
	[dreg:$0x5] =	wrdreg s11  }
0x15: {  	s8 =	sadd.s32 s8, s0;
	s0 =	sadd.s32 s10, s0;
	[dreg:$0xf] =	wrdreg s24  }
0x16: {  	s10 =	ssub.s32 s13, s26;
	s2 =	sadd.s32 s2, s4;
	[dreg:$0x7] =	wrdreg s19  }
0x17: {  	s11 =	sadd.s32 $0x80, s31;
	s24 =	simm.s32 $0x5000;
	[dreg:$0x6] =	wrdreg s2  }
0x18: {  	s13 =	sshll.u32 s11, $0x5;
	s2 =	sshll.u32 s11, $0x4;
	s26 =	sadd.s32 $0x1E400, s8  }
0x19: {  	s0 =	sadd.s32 $0x32000, s0;
	s31 =	smax.u32 s10, $0x1;
	[dreg:$0x11] =	wrdreg s26  }
0x1a: {  	s10 =	simm.s32 $0x7;
	s11 =	simm.s32 $0x9;
	[dreg:$0x12] =	wrdreg s0  }
0x1b: {  	s4 =	sadd.s32 s13, s1;
	s2 =	sadd.s32 s2, s3;
	[dreg:$0x13] =	wrdreg s31  }
0x1c: {  	s26 =	simm.s32 $0xE000;
	s13 =	simm.s32 $0xB;
	[dreg:$0x9] =	wrdreg s4  }
0x1d: {  	[dreg:$0xa] =	wrdreg s2;
	s2 =	sadd.s32 s15, s1;
	s15 =	simm.s32 $0xD  }
0x1e: {  	s4 =	simm.s32 $0xA000;
	[dreg:$0xb] =	wrdreg s2;
	s2 =	sadd.s32 s16, s3  }
0x1f: {  	s16 =	simm.s32 $0xE;
	[dreg:$0xc] =	wrdreg s2;
	s2 =	sadd.s32 s18, s1  }
0x20: {  	s18 =	simm.s32 $0x11;
	[dreg:$0xd] =	wrdreg s2;
	s2 =	sadd.s32 s22, s3  }
0x21: {  	s22 =	simm.s32 $0x10;
	[dreg:$0xe] =	wrdreg s2;
	s2 =	sadd.s32 s25, s3  }
0x22: {  	v0 =	vimm.bf16 $0.0e+00;
	v1 =	vimm.f32 $0.0e+00;
	v2 =	vimm.f32 $1.000000000e+00;
	s25 =	simm.s32 $0x80;
	[dreg:$0x10] =	wrdreg s2;
	s2 =	simm.s32 $0x0  }
.LBB2_1:
0x23: {  	[dreg:$0x14] =	wrdreg s2  }
0x24: {  	s0 =	simm.s32 $0x0;
	s23 =	rddreg [dreg:$0x5]  }
0x25: {  	[tilespmem:s0], [sflag:$0x12] =	stream.linear.gather [hbm4b:s23+s0], $0x5000, $0x38;
	[tilespmem:$0x1A680] =	vst v63  }
0x26: {  	_ =	swait.ge [sflag:s21], $0x5000  }
0x27: {  	[sflag:s21] =	ssyncset.done $0x0  }
0x28: {  	s31 =	rddreg [dreg:$0x6];
	[sflag:s21] =	ssyncadd.s32 $0xFFFFB000  }
0x29: {  	[tilespmem:s24], [sflag:$0x12] =	stream.linear.gather [hbm4b:s31+s0], $0x5000, $0x38;
	[tilespmem:$0x1A680] =	vst v63  }
0x2a: {  	_ =	swait.ge [sflag:s21], $0x5000  }
0x2b: {  	[sflag:s21] =	ssyncset.done $0x0  }
0x2c: {  	s2 =	simm.s32 $0x80;
	s8 =	simm.s32 $0x0;
	[sflag:s21] =	ssyncadd.s32 $0xFFFFB000  }
.LBB2_2:
0x2d: {  	p2 =	sne.s32 s2, $0x3F80;
	[tilespmem:s8+$0xA000] =	vst v0;
	s9 =	smov.u32 s2;
	s2 =	sadd.s32 $0x80, s2  }
.Ltmp0:
0x2e: {  	[tilespmem:s8+$0xA010] =	vst v0;
	(pc) =	sbr.rel @p2 .LBB2_2-.Ltmp0, $2  }
0x2f: {  	_ =	sdelay $0x2  }
0x30: {  	s8 =	sshra.s32 s9, $0x2  }
0x31: {  	[tilespmem:s8+$0xA000] =	vst v0  }
0x32: {  	[tilespmem:s8+$0xA010] =	vst v0;
	s2 =	simm.s32 $0x40;
	s8 =	simm.s32 $0x0  }
.LBB2_4:
0x33: {  	p2 =	sne.s32 s2, $0x1FC0;
	[tilespmem:s8+$0x12000] =	vst v1;
	s8 =	smov.u32 s2;
	s2 =	sadd.s32 $0x40, s2  }
.Ltmp1:
0x34: {  	(pc) =	sbr.rel @p2 .LBB2_4-.Ltmp1, $2  }
0x35: {  	_ =	sdelay $0x2  }
0x36: {  	s8 =	sshra.s32 s8, $0x2  }
0x37: {  	[tilespmem:s8+$0x12000] =	vst v1;
	s2 =	simm.s32 $0x40;
	s8 =	simm.s32 $0x0  }
.LBB2_6:
0x38: {  	p2 =	sne.s32 s2, $0x1FC0;
	[tilespmem:s8+$0x12800] =	vst v2;
	s8 =	smov.u32 s2;
	s2 =	sadd.s32 $0x40, s2  }
.Ltmp2:
0x39: {  	(pc) =	sbr.rel @p2 .LBB2_6-.Ltmp2, $2  }
0x3a: {  	_ =	sdelay $0x2  }
0x3b: {  	s8 =	sshra.s32 s8, $0x2  }
0x3c: {  	[tilespmem:s8+$0x12800] =	vst v2  }
0x3d: {  	[spmem:s19] =	stream.linear.scatter [tilespmem:s28], [sflag:$0x12], $0x1000, $0x38;
	[tilespmem:$0x1A680] =	vst v63  }
0x3e: {  	_ =	swait.ge [sflag:s21], $0x1000  }
0x3f: {  	[sflag:s21] =	ssyncset.done $0x0  }
0x40: {  	s2 =	simm.s32 $0x12000;
	[sflag:s21] =	ssyncadd.s32 $0xFFFFF000  }
0x41: {  	[spmem:s20] =	stream.linear.scatter [tilespmem:s2], [sflag:$0x12], $0x800, $0x38;
	[tilespmem:$0x1A680] =	vst v63  }
0x42: {  	_ =	swait.ge [sflag:s21], $0x800  }
0x43: {  	[sflag:s21] =	ssyncset.done $0x0  }
0x44: {  	s0 =	rddreg [dreg:$0x9];
	[sflag:s21] =	ssyncadd.s32 $0xFFFFF800  }
0x45: {  	[spmem:s0] =	stream.linear.scatter [tilespmem:s28], [sflag:$0x12], $0x1000, $0x38;
	[tilespmem:$0x1A680] =	vst v63  }
0x46: {  	_ =	swait.ge [sflag:s21], $0x1000  }
0x47: {  	[sflag:s21] =	ssyncset.done $0x0  }
0x48: {  	s23 =	rddreg [dreg:$0xa];
	[sflag:s21] =	ssyncadd.s32 $0xFFFFF000  }
0x49: {  	[spmem:s23] =	stream.linear.scatter [tilespmem:s2], [sflag:$0x12], $0x800, $0x38;
	[tilespmem:$0x1A680] =	vst v63  }
0x4a: {  	_ =	swait.ge [sflag:s21], $0x800  }
0x4b: {  	[sflag:s21] =	ssyncset.done $0x0  }
0x4c: {  	s31 =	rddreg [dreg:$0xb];
	[sflag:s21] =	ssyncadd.s32 $0xFFFFF800  }
0x4d: {  	[spmem:s31] =	stream.linear.scatter [tilespmem:s28], [sflag:$0x12], $0x1000, $0x38;
	[tilespmem:$0x1A680] =	vst v63  }
0x4e: {  	_ =	swait.ge [sflag:s21], $0x1000  }
0x4f: {  	[sflag:s21] =	ssyncset.done $0x0  }
0x50: {  	s8 =	rddreg [dreg:$0xc];
	[sflag:s21] =	ssyncadd.s32 $0xFFFFF000  }
0x51: {  	[spmem:s8] =	stream.linear.scatter [tilespmem:s2], [sflag:$0x12], $0x800, $0x38;
	[tilespmem:$0x1A680] =	vst v63  }
0x52: {  	_ =	swait.ge [sflag:s21], $0x800  }
0x53: {  	[sflag:s21] =	ssyncset.done $0x0  }
0x54: {  	s9 =	rddreg [dreg:$0xd];
	[sflag:s21] =	ssyncadd.s32 $0xFFFFF800  }
0x55: {  	[spmem:s9] =	stream.linear.scatter [tilespmem:s28], [sflag:$0x12], $0x1000, $0x38;
	[tilespmem:$0x1A680] =	vst v63  }
0x56: {  	_ =	swait.ge [sflag:s21], $0x1000  }
0x57: {  	[sflag:s21] =	ssyncset.done $0x0  }
0x58: {  	s19 =	rddreg [dreg:$0xe];
	[sflag:s21] =	ssyncadd.s32 $0xFFFFF000  }
0x59: {  	[spmem:s19] =	stream.linear.scatter [tilespmem:s2], [sflag:$0x12], $0x800, $0x38;
	[tilespmem:$0x1A680] =	vst v63  }
0x5a: {  	_ =	swait.ge [sflag:s21], $0x800  }
0x5b: {  	[sflag:s21] =	ssyncset.done $0x0  }
0x5c: {  	s20 =	rddreg [dreg:$0xf];
	[sflag:s21] =	ssyncadd.s32 $0xFFFFF800  }
0x5d: {  	[spmem:s20] =	stream.linear.scatter [tilespmem:s28], [sflag:$0x12], $0xF00, $0x38;
	[tilespmem:$0x1A680] =	vst v63  }
0x5e: {  	_ =	swait.ge [sflag:s21], $0xF00  }
0x5f: {  	[sflag:s21] =	ssyncset.done $0x0  }
0x60: {  	s23 =	rddreg [dreg:$0x10];
	[sflag:s21] =	ssyncadd.s32 $0xFFFFF100  }
0x61: {  	[spmem:s23] =	stream.linear.scatter [tilespmem:s2], [sflag:$0x12], $0x780, $0x38;
	[tilespmem:$0x1A680] =	vst v63  }
0x62: {  	_ =	swait.ge [sflag:s21], $0x780  }
0x63: {  	[sflag:s21] =	ssyncset.done $0x0  }
0x64: {  	[sflag:s21] =	ssyncadd.s32 $0xFFFFF880  }
0x65: {  	[tilespmem:s28], [sflag:$0x1] =	stream.indirect.gather [hbm4b:s5+s25], $0x20, s24, s25, $0xb8;
	[tilespmem:$0x1A680] =	vst v63  }
0x66: {  	s31 =	simm.s32 $0xB000;
	s24 =	simm.s32 $0x5080  }
0x67: {  	[tilespmem:s31], [sflag:$0x2] =	stream.indirect.gather [hbm4b:s5+s25], $0x20, s24, s25, $0xb8;
	[tilespmem:$0x1A680] =	vst v63  }
0x68: {  	s8 =	simm.s32 $0x5100  }
0x69: {  	[tilespmem:s30], [sflag:$0x3] =	stream.indirect.gather [hbm4b:s5+s25], $0x20, s8, s25, $0xb8;
	[tilespmem:$0x1A680] =	vst v63  }
0x6a: {  	s9 =	simm.s32 $0x5180;
	s19 =	simm.s32 $0xD000  }
0x6b: {  	[tilespmem:s19], [sflag:$0x4] =	stream.indirect.gather [hbm4b:s5+s25], $0x20, s9, s25, $0xb8;
	[tilespmem:$0x1A680] =	vst v63  }
0x6c: {  	s20 =	simm.s32 $0x5200  }
0x6d: {  	[tilespmem:s26], [sflag:$0x5] =	stream.indirect.gather [hbm4b:s5+s25], $0x20, s20, s25, $0xb8;
	[tilespmem:$0x1A680] =	vst v63  }
0x6e: {  	s23 =	simm.s32 $0xF000;
	s21 =	simm.s32 $0x5280  }
0x6f: {  	[tilespmem:s23], [sflag:$0x6] =	stream.indirect.gather [hbm4b:s5+s25], $0x20, s21, s25, $0xb8;
	[tilespmem:$0x1A680] =	vst v63  }
0x70: {  	s24 =	simm.s32 $0x5300;
	s23 =	simm.s32 $0x10000  }
0x71: {  	[tilespmem:s23], [sflag:$0x7] =	stream.indirect.gather [hbm4b:s5+s25], $0x20, s24, s25, $0xb8;
	[tilespmem:$0x1A680] =	vst v63  }
0x72: {  	s31 =	simm.s32 $0x11000;
	s26 =	simm.s32 $0x5380  }
0x73: {  	[tilespmem:s31], [sflag:$0x8] =	stream.indirect.gather [hbm4b:s5+s25], $0x20, s26, s25, $0xb8;
	[tilespmem:$0x1A680] =	vst v63  }
0x74: {  	s8 =	simm.s32 $0x0;
	s20 =	simm.s32 $0x0;
	[bflag:$0x0] =	sbarrier.arrive $0xFFFF  }
.LBB2_8:
0x75: {  	s0 =	simm.s32 $0x1  }
0x76: {  	p3 =	slt.u32 s8, $0xA;
	p2 =	por p1, p1;
	_ =	swait.ge [sflag:s0], $0x1000  }
0x77: {  	p2 =	por @!p3 p0, p0;
	[sflag:s0] =	ssyncset.done $0x0  }
0x78: {  	s9 =	sshra.s32 s20, $0x2;
	s2 =	simm.s32 @!p2 $0x2;
	[sflag:s0] =	ssyncadd.s32 $0xFFFFF000  }
0x79: {  	[spmem:s1] =	stream.indirect.scatter.add.bf16 [tilespmem:s28], [sflag:$0x9], $0x20, s9, s25, $0xb8;
	[tilespmem:$0x1A680] =	vst v63  }
0x7a: {  	_ =	swait.ge @!p2 [sflag:s2], $0x1000  }
0x7b: {  	s24 =	simm.s32 @!p2 $0xB000;
	s28 =	sshra.s32 @!p2 s20, $0x2;
	[sflag:s2] =	ssyncset.done @!p2 $0x0  }
0x7c: {  	s19 =	sadd.s32 @!p2 $0x80, s28;
	[sflag:s2] =	ssyncadd.s32 @!p2 $0xFFFFF000;
	s2 =	simm.s32 @!p2 $0x80  }
0x7d: {  	[spmem:s1] =	stream.indirect.scatter.add.bf16 @!p2 [tilespmem:s24], [sflag:$0xA], $0x20, s19, s2, $0xb8;
	[tilespmem:$0x1A680] =	vst v63  }
0x7e: {  	s0 =	simm.s32 @p2 $0x2;
	s24 =	simm.s32 @p2 $0x80;
	s19 =	simm.s32 @p2 $0x12800  }
0x7f: {  	[spmem:s3] =	stream.indirect.scatter.add.f32 @p2 [tilespmem:s19], [sflag:$0x11], $0x10, s9, s24, $0xb8;
	[tilespmem:$0x1A680] =	vst v63  }
0x80: {  	_ =	swait.ge @p2 [sflag:s0], $0x1000  }
0x81: {  	s31 =	sshra.s32 @p2 s20, $0x2;
	[sflag:s0] =	ssyncset.done @p2 $0x0  }
0x82: {  	s21 =	simm.s32 @p2 $0xB000;
	[sflag:s0] =	ssyncadd.s32 @p2 $0xFFFFF000;
	s0 =	sadd.s32 @p2 $0x80, s31  }
0x83: {  	[spmem:s1] =	stream.indirect.scatter.add.bf16 @p2 [tilespmem:s21], [sflag:$0xA], $0x20, s0, s24, $0xb8;
	[tilespmem:$0x1A680] =	vst v63  }
0x84: {  	_ = 	snop  }
0x85: {  	[spmem:s3] =	stream.indirect.scatter.add.f32 @p2 [tilespmem:s19], [sflag:$0x11], $0x10, s0, s24, $0xb8;
	[tilespmem:$0x1A680] =	vst v63  }
0x86: {  	_ =	swait.ge [sflag:s6], $0x1000  }
0x87: {  	[sflag:s6] =	ssyncset.done $0x0  }
0x88: {  	s21 =	simm.s32 @!p2 $0x4;
	s0 =	sadd.s32 $0x100, s9;
	[sflag:s6] =	ssyncadd.s32 $0xFFFFF000  }
0x89: {  	[spmem:s1] =	stream.indirect.scatter.add.bf16 [tilespmem:s30], [sflag:$0xB], $0x20, s0, s25, $0xb8;
	[tilespmem:$0x1A680] =	vst v63  }
0x8a: {  	_ =	swait.ge @!p2 [sflag:s21], $0x1000  }
0x8b: {  	[sflag:s21] =	ssyncset.done @!p2 $0x0  }
0x8c: {  	s30 =	simm.s32 @!p2 $0xD000;
	[sflag:s21] =	ssyncadd.s32 @!p2 $0xFFFFF000;
	s21 =	sadd.s32 @!p2 $0x180, s28  }
0x8d: {  	[spmem:s1] =	stream.indirect.scatter.add.bf16 @!p2 [tilespmem:s30], [sflag:$0xC], $0x20, s21, s2, $0xb8;
	[tilespmem:$0x1A680] =	vst v63  }
0x8e: {  	_ = 	snop  }
0x8f: {  	[spmem:s3] =	stream.indirect.scatter.add.f32 @p2 [tilespmem:s19], [sflag:$0x11], $0x10, s0, s24, $0xb8;
	[tilespmem:$0x1A680] =	vst v63  }
0x90: {  	s0 =	simm.s32 @p2 $0x4  }
0x91: {  	_ =	swait.ge @p2 [sflag:s0], $0x1000  }
0x92: {  	[sflag:s0] =	ssyncset.done @p2 $0x0  }
0x93: {  	s21 =	simm.s32 @p2 $0xD000;
	[sflag:s0] =	ssyncadd.s32 @p2 $0xFFFFF000;
	s0 =	sadd.s32 @p2 $0x180, s31  }
0x94: {  	[spmem:s1] =	stream.indirect.scatter.add.bf16 @p2 [tilespmem:s21], [sflag:$0xC], $0x20, s0, s24, $0xb8;
	[tilespmem:$0x1A680] =	vst v63  }
0x95: {  	_ = 	snop  }
0x96: {  	[spmem:s3] =	stream.indirect.scatter.add.f32 @p2 [tilespmem:s19], [sflag:$0x11], $0x10, s0, s24, $0xb8;
	[tilespmem:$0x1A680] =	vst v63  }
0x97: {  	_ =	swait.ge [sflag:s7], $0x1000  }
0x98: {  	[sflag:s7] =	ssyncset.done $0x0  }
0x99: {  	s21 =	simm.s32 @!p2 $0x6;
	s0 =	sadd.s32 $0x200, s9;
	[sflag:s7] =	ssyncadd.s32 $0xFFFFF000  }
0x9a: {  	[spmem:s1] =	stream.indirect.scatter.add.bf16 [tilespmem:s29], [sflag:$0xD], $0x20, s0, s25, $0xb8;
	[tilespmem:$0x1A680] =	vst v63  }
0x9b: {  	_ =	swait.ge @!p2 [sflag:s21], $0x1000  }
0x9c: {  	[sflag:s21] =	ssyncset.done @!p2 $0x0  }
0x9d: {  	s30 =	simm.s32 @!p2 $0xF000;
	[sflag:s21] =	ssyncadd.s32 @!p2 $0xFFFFF000;
	s21 =	sadd.s32 @!p2 $0x280, s28  }
0x9e: {  	[spmem:s1] =	stream.indirect.scatter.add.bf16 @!p2 [tilespmem:s30], [sflag:$0xE], $0x20, s21, s2, $0xb8;
	[tilespmem:$0x1A680] =	vst v63  }
0x9f: {  	_ = 	snop  }
0xa0: {  	[spmem:s3] =	stream.indirect.scatter.add.f32 @p2 [tilespmem:s19], [sflag:$0x11], $0x10, s0, s24, $0xb8;
	[tilespmem:$0x1A680] =	vst v63  }
0xa1: {  	s0 =	simm.s32 @p2 $0x6  }
0xa2: {  	_ =	swait.ge @p2 [sflag:s0], $0x1000  }
0xa3: {  	[sflag:s0] =	ssyncset.done @p2 $0x0  }
0xa4: {  	s21 =	simm.s32 @p2 $0xF000;
	[sflag:s0] =	ssyncadd.s32 @p2 $0xFFFFF000;
	s0 =	sadd.s32 @p2 $0x280, s31  }
0xa5: {  	[spmem:s1] =	stream.indirect.scatter.add.bf16 @p2 [tilespmem:s21], [sflag:$0xE], $0x20, s0, s24, $0xb8;
	[tilespmem:$0x1A680] =	vst v63  }
0xa6: {  	_ = 	snop  }
0xa7: {  	[spmem:s3] =	stream.indirect.scatter.add.f32 @p2 [tilespmem:s19], [sflag:$0x11], $0x10, s0, s24, $0xb8;
	[tilespmem:$0x1A680] =	vst v63  }
0xa8: {  	_ =	swait.ge [sflag:s10], $0x1000  }
0xa9: {  	[sflag:s10] =	ssyncset.done $0x0  }
0xaa: {  	s21 =	simm.s32 @!p2 $0x8;
	s0 =	sadd.s32 $0x300, s9;
	[sflag:s10] =	ssyncadd.s32 $0xFFFFF000  }
0xab: {  	[spmem:s1] =	stream.indirect.scatter.add.bf16 [tilespmem:s23], [sflag:$0xF], $0x20, s0, s25, $0xb8;
	[tilespmem:$0x1A680] =	vst v63  }
0xac: {  	_ =	swait.ge @!p2 [sflag:s21], $0x1000  }
0xad: {  	[sflag:s21] =	ssyncset.done @!p2 $0x0  }
0xae: {  	[sflag:s21] =	ssyncadd.s32 @!p2 $0xFFFFF000;
	s21 =	sadd.s32 @!p2 $0x380, s28;
	s28 =	simm.s32 @!p2 $0x11000  }
0xaf: {  	[spmem:s1] =	stream.indirect.scatter.add.bf16 @!p2 [tilespmem:s28], [sflag:$0x10], $0x20, s21, s2, $0xb8;
	[tilespmem:$0x1A680] =	vst v63  }
0xb0: {  	_ = 	snop  }
0xb1: {  	[spmem:s3] =	stream.indirect.scatter.add.f32 @p2 [tilespmem:s19], [sflag:$0x11], $0x10, s0, s24, $0xb8;
	[tilespmem:$0x1A680] =	vst v63  }
0xb2: {  	s0 =	simm.s32 @p2 $0x8  }
0xb3: {  	_ =	swait.ge @p2 [sflag:s0], $0x1000  }
0xb4: {  	[sflag:s0] =	ssyncset.done @p2 $0x0  }
0xb5: {  	s2 =	simm.s32 @p2 $0x11000;
	[sflag:s0] =	ssyncadd.s32 @p2 $0xFFFFF000;
	s0 =	sadd.s32 @p2 $0x380, s31  }
0xb6: {  	[spmem:s1] =	stream.indirect.scatter.add.bf16 @p2 [tilespmem:s2], [sflag:$0x10], $0x20, s0, s24, $0xb8;
	[tilespmem:$0x1A680] =	vst v63  }
0xb7: {  	_ = 	snop  }
0xb8: {  	[spmem:s3] =	stream.indirect.scatter.add.f32 @p2 [tilespmem:s19], [sflag:$0x11], $0x10, s0, s24, $0xb8;
	[tilespmem:$0x1A680] =	vst v63  }
0xb9: {  	p2 =	seq.s32 s20, $0x13000  }
.Ltmp3:
0xba: {  	_ = 	snop;
	(pc) =	sbr.rel @p2 .LBB2_10-.Ltmp3, $4  }
0xbb: {  	_ = 	snop  }
0xbc: {  	_ =	swait.ge [sflag:s11], $0x1000  }
0xbd: {  	[sflag:s11] =	ssyncset.done $0x0  }
0xbe: {  	s26 =	simm.s32 $0xC000;
	s19 =	simm.s32 $0x10000;
	[sflag:s11] =	ssyncadd.s32 $0xFFFFF000  }
0xbf: {  	s0 =	sadd.s32 $0x5400, s9  }
0xc0: {  	[tilespmem:s4], [sflag:$0x1] =	stream.indirect.gather [hbm4b:s5+s25], $0x20, s0, s25, $0xb8;
	[tilespmem:$0x1A680] =	vst v63  }
0xc1: {  	_ =	swait.ge [sflag:s12], $0x1000  }
0xc2: {  	[sflag:s12] =	ssyncset.done $0x0  }
0xc3: {  	s23 =	sadd.s32 $0x5480, s9;
	s2 =	simm.s32 $0xB000;
	[sflag:s12] =	ssyncadd.s32 $0xFFFFF000  }
0xc4: {  	[tilespmem:s2], [sflag:$0x2] =	stream.indirect.gather [hbm4b:s5+s25], $0x20, s23, s25, $0xb8;
	[tilespmem:$0x1A680] =	vst v63  }
0xc5: {  	_ =	swait.ge [sflag:s13], $0x1000  }
0xc6: {  	[sflag:s13] =	ssyncset.done $0x0  }
0xc7: {  	s24 =	sadd.s32 $0x5500, s9;
	[sflag:s13] =	ssyncadd.s32 $0xFFFFF000  }
0xc8: {  	[tilespmem:s26], [sflag:$0x3] =	stream.indirect.gather [hbm4b:s5+s25], $0x20, s24, s25, $0xb8;
	[tilespmem:$0x1A680] =	vst v63  }
0xc9: {  	_ =	swait.ge [sflag:s14], $0x1000  }
0xca: {  	[sflag:s14] =	ssyncset.done $0x0  }
0xcb: {  	s31 =	simm.s32 $0xD000;
	s26 =	sadd.s32 $0x5580, s9;
	[sflag:s14] =	ssyncadd.s32 $0xFFFFF000  }
0xcc: {  	[tilespmem:s31], [sflag:$0x4] =	stream.indirect.gather [hbm4b:s5+s25], $0x20, s26, s25, $0xb8;
	[tilespmem:$0x1A680] =	vst v63  }
0xcd: {  	_ =	swait.ge [sflag:s15], $0x1000  }
0xce: {  	[sflag:s15] =	ssyncset.done $0x0  }
0xcf: {  	s2 =	sadd.s32 $0x5600, s9;
	[sflag:s15] =	ssyncadd.s32 $0xFFFFF000  }
0xd0: {  	[tilespmem:s29], [sflag:$0x5] =	stream.indirect.gather [hbm4b:s5+s25], $0x20, s2, s25, $0xb8;
	[tilespmem:$0x1A680] =	vst v63  }
0xd1: {  	_ =	swait.ge [sflag:s16], $0x1000  }
0xd2: {  	[sflag:s16] =	ssyncset.done $0x0  }
0xd3: {  	s21 =	sadd.s32 $0x5680, s9;
	s23 =	simm.s32 $0xF000;
	[sflag:s16] =	ssyncadd.s32 $0xFFFFF000  }
0xd4: {  	[tilespmem:s23], [sflag:$0x6] =	stream.indirect.gather [hbm4b:s5+s25], $0x20, s21, s25, $0xb8;
	[tilespmem:$0x1A680] =	vst v63  }
0xd5: {  	_ =	swait.ge [sflag:s17], $0x1000  }
0xd6: {  	[sflag:s17] =	ssyncset.done $0x0  }
0xd7: {  	s24 =	sadd.s32 $0x5700, s9;
	[sflag:s17] =	ssyncadd.s32 $0xFFFFF000  }
0xd8: {  	[tilespmem:s19], [sflag:$0x7] =	stream.indirect.gather [hbm4b:s5+s25], $0x20, s24, s25, $0xb8;
	[tilespmem:$0x1A680] =	vst v63  }
.Ltmp4:
0xd9: {  	s8 =	sadd.s32 $0x1, s8;
	(pc) =	sbr.rel .LBB2_8-.Ltmp4, $4  }
0xda: {  	s20 =	sadd.s32 $0x1000, s20;
	s30 =	simm.s32 $0xC000;
	_ =	swait.ge [sflag:s22], $0x1000  }
0xdb: {  	s28 =	simm.s32 $0xA000;
	s26 =	sadd.s32 $0x5780, s9;
	[sflag:s22] =	ssyncset.done $0x0  }
0xdc: {  	s31 =	simm.s32 $0x11000;
	s23 =	simm.s32 $0x10000;
	[sflag:s22] =	ssyncadd.s32 $0xFFFFF000  }
0xdd: {  	[tilespmem:s31], [sflag:$0x8] =	stream.indirect.gather [hbm4b:s5+s25], $0x20, s26, s25, $0xb8;
	[tilespmem:$0x1A680] =	vst v63  }
.LBB2_10:
0xde: {  	_ =	swait.ge [sflag:s12], $0x1000  }
0xdf: {  	[sflag:s12] =	ssyncset.done $0x0  }
0xe0: {  	[sflag:s12] =	ssyncadd.s32 $0xFFFFF000  }
0xe1: {  	_ =	swait.ge [sflag:s13], $0x1000  }
0xe2: {  	[sflag:s13] =	ssyncset.done $0x0  }
0xe3: {  	[sflag:s13] =	ssyncadd.s32 $0xFFFFF000  }
0xe4: {  	_ =	swait.ge [sflag:s14], $0x1000  }
0xe5: {  	[sflag:s14] =	ssyncset.done $0x0  }
0xe6: {  	[sflag:s14] =	ssyncadd.s32 $0xFFFFF000  }
0xe7: {  	_ =	swait.ge [sflag:s15], $0x1000  }
0xe8: {  	[sflag:s15] =	ssyncset.done $0x0  }
0xe9: {  	[sflag:s15] =	ssyncadd.s32 $0xFFFFF000  }
0xea: {  	_ =	swait.ge [sflag:s16], $0x1000  }
0xeb: {  	[sflag:s16] =	ssyncset.done $0x0  }
0xec: {  	[sflag:s16] =	ssyncadd.s32 $0xFFFFF000  }
0xed: {  	_ =	swait.ge [sflag:s17], $0x1000  }
0xee: {  	[sflag:s17] =	ssyncset.done $0x0  }
0xef: {  	[sflag:s17] =	ssyncadd.s32 $0xFFFFF000  }
0xf0: {  	_ =	swait.ge [sflag:s22], $0x1000  }
0xf1: {  	[sflag:s22] =	ssyncset.done $0x0  }
0xf2: {  	[sflag:s22] =	ssyncadd.s32 $0xFFFFF000  }
0xf3: {  	s2 =	simm.s32 $0x4F;
	_ =	swait.ge [sflag:s18], $0x800  }
0xf4: {  	s21 =	simm.s32 $0x12;
	[sflag:s18] =	ssyncset.done $0x0;
	s19 =	rddreg [dreg:$0x7]  }
.LBB2_11:
0xf5: {  	p2 =	sne.s32 s2, $0x1;
	s2 =	sadd.s32 $0xFFFFFFFF, s2;
	[sflag:s18] =	ssyncadd.s32 $0xFFFFF800  }
.Ltmp5:
0xf6: {  	(pc) =	sbr.rel @p2 .LBB2_11-.Ltmp5, $3  }
0xf7: {  	_ =	sdelay $0x1  }
0xf8: {  	_ =	swait.ge [sflag:s18], $0x800  }
0xf9: {  	[sflag:s18] =	ssyncset.done $0x0  }
0xfa: {  	[sflag:s18] =	ssyncadd.s32 $0xFFFFF800;
	s0 =	stileid.u32  }
0xfb: {  	s0 =	sshll.u32 s0, $0x6;
	[bflag:$0x0] =	sbarrier.arrive $0xFFFF  }
0xfc: {  	s2 =	sshrl.u32 s19, $0x3;
	s0 =	sor.u32 $0x1C12, s0;
	s8 =	rddreg [dreg:$0x11]  }
0xfd: {  	[hbm:s8], [sflag:s0] =	dma.local [spmem:s2], $0x9E0  }
0xfe: {  	_ =	swait.ge [sflag:s21], $0x9E0  }
0xff: {  	[sflag:s21] =	ssyncset.done $0x0;
	s20 =	rddreg [dreg:$0x8]  }
0x100: {  	s24 =	rddreg [dreg:$0x12];
	[sflag:s21] =	ssyncadd.s32 $0xFFFFF620;
	s23 =	sshrl.u32 s20, $0x3  }
0x101: {  	[hbm:s24], [sflag:s0] =	dma.local [spmem:s23], $0x4F0  }
0x102: {  	_ =	swait.ge [sflag:s21], $0x4F0  }
0x103: {  	s26 =	rddreg [dreg:$0x14]  }
0x104: {  	s31 =	rddreg [dreg:$0x13];
	s2 =	sadd.s32 $0x1, s26  }
0x105: {  	p2 =	sne.s32 s2, s31  }
.Ltmp6:
0x106: {  	_ = 	snop;
	(pc) =	sbr.rel @p2 .LBB2_1-.Ltmp6, $3  }
0x107: {  	_ =	sdelay $0x1  }
0x108: {  	s30 =	simm.s32 $0xC000;
	s28 =	simm.s32 $0xA000;
	[sflag:s21] =	ssyncset.done $0x0  }
0x109: {  	s24 =	simm.s32 $0x5000;
	[sflag:s21] =	ssyncadd.s32 $0xFFFFFB10;
	s26 =	simm.s32 $0xE000  }
0x10a: {  	_ =	sfence.sel $0x180000  }
0x10b: {  	[bflag:$0x0] =	sbarrier.arrive $0xFFFF  }
0x10c: {  	_ =	strace $0x90000047  }
0x10d: {  	s0 =	stileid.u32;
	[bflag:$0x2] =	sbarrier.arrive $0xFFFF  }
0x10e: {  	p0 =	sne.s32 s0, $0x0;
	s0 =	rddreg [dreg:$0x4]  }
0x10f: {  	s0 =	sadd.s32 @!p0 $0x100000, s0  }
0x110: {  	[sflag:s0] =	ssyncadd.tile.s32 @!p0 $0x1;
	_ =	shalt  }
.Lfunc_end2:
_tile_overlayer_lowered:
.L_overlay_start_2:
0x111: {  	(tag) =	ssettag $0x2  }
0x112: {  	s0 =	rddreg [dreg:$0x0];
	s2 =	stileid.u32  }
0x113: {  	s1 =	rddreg [dreg:$0x1];
	p0 =	sne.s32 s2, $0x0  }
0x114: {  	s3 =	rddreg [dreg:$0x2];
	[bflag:$0x3] =	sbarrier.arrive $0xFFFF;
	s2 =	simm.s32 @!p0 $0x1C12  }
0x115: {  	[timem:s3], [sflag:s2] =	dma.local @!p0 [hbm:s0], s1  }
0x116: {  	s0 =	simm.s32 @!p0 $0x12  }
0x117: {  	_ =	swait.ge @!p0 [sflag:s0], s1  }
0x118: {  	s1 =	ssub.s32 @!p0 $0x0, s1;
	[sflag:s0] =	ssyncset.done @!p0 $0x0  }
0x119: {  	[sflag:s0] =	ssyncadd.s32 @!p0 s1  }
0x11a: {  	[bflag:$0x3] =	sbarrier.arrive $0xFFFF  }
0x11b: {  	_ =	shalt  }

</sc_bundles>
